<compile_context>
chip_gen: v7x
topology: tpu7x:2x2x1
jax: 0.10.2.dev20260603
libtpu: 0.0.44.dev20260713+nightly
codegen_flags: <defaults>
</compile_context>

<pallas_src>
import functools

import jax
import jax.numpy as jnp
from jax import lax
from jax.experimental import pallas as pl
from jax.experimental.pallas import tpu as pltpu
from jax.experimental.pallas import tpu_sc as plsc

N = 10000
E = 320000
EPAD = 327680
RPT = 80
ACC_ROWS = 10240
ZPT = ACC_ROWS // 16


def _make_deg():
    mesh = plsc.VectorSubcoreMesh(core_axis_name="c", subcore_axis_name="s")

    @functools.partial(
        pl.kernel, mesh=mesh,
        out_type=jax.ShapeDtypeStruct((2 * ACC_ROWS, 128), jnp.float32),
        scratch_types=[
            pltpu.VMEM((RPT, 128), jnp.int32),
            pltpu.VMEM((128, 128), jnp.float32),
            pltpu.VMEM_SHARED((ACC_ROWS, 128), jnp.float32),
        ],
    )
    def deg(row_hbm, ones_hbm, zeros_hbm, out_hbm, idx_v, ones_v, acc):
        c = lax.axis_index("c")
        s = lax.axis_index("s")
        wid = c * 16 + s

        pltpu.sync_copy(zeros_hbm.at[pl.ds(s * ZPT, ZPT)],
                        acc.at[pl.ds(s * ZPT, ZPT)])
        pltpu.sync_copy(ones_hbm, ones_v)
        pltpu.sync_copy(row_hbm.at[pl.ds(wid * RPT, RPT)], idx_v)
        plsc.subcore_barrier()

        def body(j, carry):
            pltpu.sync_copy(ones_v, acc.at[idx_v.at[j]], add=True)
            return carry

        lax.fori_loop(0, RPT, body, 0)
        plsc.subcore_barrier()
        pltpu.sync_copy(acc.at[pl.ds(s * ZPT, ZPT)],
                        out_hbm.at[pl.ds(c * ACC_ROWS + s * ZPT, ZPT)])

    return deg


def _make_prop(D):
    mesh = plsc.VectorSubcoreMesh(core_axis_name="c", subcore_axis_name="s")
    CH = 8

    @functools.partial(
        pl.kernel, mesh=mesh,
        out_type=jax.ShapeDtypeStruct((2 * ACC_ROWS, D), jnp.float32),
        scratch_types=[
            pltpu.VMEM((CH, 128), jnp.int32),
            pltpu.VMEM((CH, 128), jnp.int32),
            pltpu.VMEM((128, D), jnp.float32),
            pltpu.VMEM((128, D), jnp.float32),
            pltpu.VMEM_SHARED((ACC_ROWS, D), jnp.float32),
            pltpu.SemaphoreType.DMA,
            pltpu.SemaphoreType.DMA,
            pltpu.SemaphoreType.DMA,
            pltpu.SemaphoreType.DMA,
        ],
    )
    def prop(row_hbm, col_hbm, z_hbm, zeros_hbm, out_hbm,
             row_v, col_v, b0, b1, acc, g0, g1, ss0, ss1):
        c = lax.axis_index("c")
        s = lax.axis_index("s")
        wid = c * 16 + s
        bufs = (b0, b1)
        gsems = (g0, g1)
        ssems = (ss0, ss1)

        pltpu.sync_copy(zeros_hbm.at[pl.ds(s * ZPT, ZPT)],
                        acc.at[pl.ds(s * ZPT, ZPT)])
        plsc.subcore_barrier()

        def chunk(kk, carry):
            base = wid * RPT + kk * CH
            pltpu.sync_copy(row_hbm.at[pl.ds(base, CH)], row_v)
            pltpu.sync_copy(col_hbm.at[pl.ds(base, CH)], col_v)
            sc = [None] * CH
            d_prev = pltpu.async_copy(z_hbm.at[row_v.at[0]], b0, g0)
            for t in range(1, CH):
                b = t % 2
                if t >= 2:
                    sc[t - 2].wait()
                d_cur = pltpu.async_copy(z_hbm.at[row_v.at[t]],
                                         bufs[b], gsems[b])
                d_prev.wait()
                sc[t - 1] = pltpu.async_copy(
                    bufs[1 - b], acc.at[col_v.at[t - 1]], ssems[1 - b],
                    add=True)
                d_prev = d_cur
            d_prev.wait()
            sc[CH - 1] = pltpu.async_copy(
                bufs[(CH - 1) % 2], acc.at[col_v.at[CH - 1]],
                ssems[(CH - 1) % 2], add=True)
            sc[CH - 2].wait()
            sc[CH - 1].wait()
            return carry

        lax.fori_loop(0, RPT // CH, chunk, 0)
        plsc.subcore_barrier()
        pltpu.sync_copy(acc.at[pl.ds(s * ZPT, ZPT)],
                        out_hbm.at[pl.ds(c * ACC_ROWS + s * ZPT, ZPT)])

    return prop


_SC_KERNELS = {}


def _sc(name, maker):
    fn = _SC_KERNELS.get(name)
    if fn is None:
        fn = _SC_KERNELS[name] = maker()
    return fn

_B = 640
_G = ACC_ROWS // _B


def _rs(dA, dB):
    return lax.rsqrt(dA[:, :1] + dB[:, :1] + 1.0)


def _tc1_body(x_ref, w_ref, b_ref, dA_ref, dB_ref, z_ref, s_ref):
    s = _rs(dA_ref[...], dB_ref[...])
    y = lax.dot_general(x_ref[...], w_ref[...], (((1,), (1,)), ((), ())),
                        preferred_element_type=jnp.float32)
    z_ref[...] = s * (y + b_ref[...])
    s_ref[...] = jnp.broadcast_to(s, (_B, 8))


def _tc2_body(agA_ref, agB_ref, z1_ref, s8_ref, w_ref, b_ref, z2_ref):
    s = s8_ref[:, :1]
    h = jnp.maximum(s * (agA_ref[...] + agB_ref[...] + z1_ref[...]), 0.0)
    y = lax.dot_general(h, w_ref[...], (((1,), (1,)), ((), ())),
                        preferred_element_type=jnp.float32)
    z2_ref[...] = s * (y + b_ref[...])


def _tc3_body(agA_ref, agB_ref, z2_ref, s8_ref, out_ref):
    s = s8_ref[:, :1]
    o = s * (agA_ref[:, :64] + agB_ref[:, :64] + z2_ref[:, :64])
    m = jnp.max(o, axis=1, keepdims=True)
    e = o - m
    out_ref[...] = e - jnp.log(jnp.sum(jnp.exp(e), axis=1, keepdims=True))


def _row_spec(d):
    return pl.BlockSpec((_B, d), lambda i: (i, 0))


def _half_specs(d):
    return (pl.BlockSpec((_B, d), lambda i: (i, 0)),
            pl.BlockSpec((_B, d), lambda i: (i + _G, 0)))


def _full_spec(r, d):
    return pl.BlockSpec((r, d), lambda i: (0, 0))


def _tc1(x, W1, b1, deg2):
    dA, dB = _half_specs(128)
    return pl.pallas_call(
        _tc1_body, grid=(_G,),
        in_specs=[_row_spec(128), _full_spec(128, 128), _full_spec(1, 128),
                  dA, dB],
        out_specs=(_row_spec(128), _row_spec(8)),
        out_shape=(jax.ShapeDtypeStruct((ACC_ROWS, 128), jnp.float32),
                   jax.ShapeDtypeStruct((ACC_ROWS, 8), jnp.float32)),
    )(x, W1, b1, deg2, deg2)


def _tc2(agg1, z1, s8, W2p, b2p):
    aA, aB = _half_specs(128)
    return pl.pallas_call(
        _tc2_body, grid=(_G,),
        in_specs=[aA, aB, _row_spec(128), _row_spec(8),
                  _full_spec(128, 128), _full_spec(1, 128)],
        out_specs=_row_spec(128),
        out_shape=jax.ShapeDtypeStruct((ACC_ROWS, 128), jnp.float32),
    )(agg1, agg1, z1, s8, W2p, b2p)


def _tc3(agg2, z2, s8):
    aA, aB = _half_specs(128)
    return pl.pallas_call(
        _tc3_body, grid=(_G,),
        in_specs=[aA, aB, _row_spec(128), _row_spec(8)],
        out_specs=pl.BlockSpec((_B, 64), lambda i: (i, 0)),
        out_shape=jax.ShapeDtypeStruct((N, 64), jnp.float32),
    )(agg2, agg2, z2, s8)


def kernel(x, edge_index, W1, b1, W2, b2):
    ei = edge_index.astype(jnp.int32)
    row, col = ei[0], ei[1]
    pad = EPAD - E
    row_deg = jnp.concatenate([row, jnp.full((pad,), N, jnp.int32)])
    row_g = jnp.concatenate([row, jnp.arange(pad, dtype=jnp.int32) % N])
    col_s = jnp.concatenate([col, jnp.full((pad,), N, jnp.int32)])
    row_deg = row_deg.reshape(EPAD // 128, 128)
    row_g = row_g.reshape(EPAD // 128, 128)
    col_s = col_s.reshape(EPAD // 128, 128)

    ones128 = jnp.ones((128, 128), jnp.float32)
    zeros128 = jnp.zeros((ACC_ROWS, 128), jnp.float32)
    W2p = jnp.concatenate([W2, jnp.zeros((64, 128), jnp.float32)], axis=0)
    b2p = jnp.concatenate([b2, jnp.zeros((64,), jnp.float32)]).reshape(1, 128)

    deg2 = _sc("deg", _make_deg)(row_deg, ones128, zeros128)
    z1, s8 = _tc1(x, W1, b1.reshape(1, 128), deg2)
    prop = _sc("prop128", lambda: _make_prop(128))
    agg1 = prop(row_g, col_s, z1, zeros128)
    z2 = _tc2(agg1, z1, s8, W2p, b2p)
    agg2 = prop(row_g, col_s, z2, zeros128)
    return _tc3(agg2, z2, s8)

# --- scband reference (transcript-rebuilt; emitter-appended) ---
"""Pipeline reference for scband-net-82686710382838 (READ-ONLY COPY).

The authoritative reference and input builder live on the scoring server;
editing this copy changes nothing except your own understanding.
"""

import jax, jax.numpy as jnp
import numpy as np

N_NODES = 10000
N_EDGES = 320000
NFEAT = 128
NHID = 128
NCLASS = 64


def gcn_layer(x, edge_index, W, b):
    # add self loops
    n = x.shape[0]
    loops = jnp.arange(n, dtype=edge_index.dtype)
    ei = jnp.concatenate([edge_index, jnp.stack([loops, loops])], axis=1)
    # linear transform
    x = x @ W.T + b
    row, col = ei[0], ei[1]
    # degree computed over row (source) nodes, as in the torch module
    deg = jax.ops.segment_sum(jnp.ones(ei.shape[1], dtype=x.dtype), row, num_segments=n)
    deg_inv_sqrt = deg ** (-0.5)
    deg_inv_sqrt = jnp.where(jnp.isinf(deg_inv_sqrt), 0.0, deg_inv_sqrt)
    norm = deg_inv_sqrt[row] * deg_inv_sqrt[col]
    msg = norm[:, None] * x[row]  # gather source features (x_j)
    out = jax.ops.segment_sum(msg, col, num_segments=n)  # scatter-add to targets
    return out


def setup_inputs(seed: int = 0) -> dict:
    key = jax.random.key(seed)
    k1, k2, k3, k4, k5, k6 = jax.random.split(key, 6)
    x = jax.random.normal(k1, (N_NODES, NFEAT), dtype=jnp.float32)
    edge_index = jax.random.randint(k2, (2, N_EDGES), 0, N_NODES)
    # learned parameters (torch Linear layout: [out, in])
    W1 = jax.random.normal(k3, (NHID, NFEAT), dtype=jnp.float32) * (1.0 / np.sqrt(NFEAT))
    b1 = jnp.zeros((NHID,), dtype=jnp.float32)
    W2 = jax.random.normal(k4, (NCLASS, NHID), dtype=jnp.float32) * (1.0 / np.sqrt(NHID))
    b2 = jnp.zeros((NCLASS,), dtype=jnp.float32)
    return {"x": x, "edge_index": edge_index, "W1": W1, "b1": b1, "W2": W2, "b2": b2}


def reference(x, edge_index, W1, b1, W2, b2):
    # conv1 -> relu -> dropout(eval: identity) -> conv2 -> log_softmax
    h = gcn_layer(x, edge_index, W1, b1)
    h = jax.nn.relu(h)
    out = gcn_layer(h, edge_index, W2, b2)
    return jax.nn.log_softmax(out, axis=1)

if __name__ == "__main__":
    import jax
    _d = setup_inputs()
    print(jax.jit(kernel)(*tuple(_d.values())))

</pallas_src>

<mosaic_0001>
#map = affine_map<(d0, d1) -> (0, 0)>
module attributes {stable_mosaic.version = 14 : i64} {
  func.func @prop(%arg0: i32, %arg1: i32, %arg2: memref<2560x128xi32, #tpu.memory_space<hbm>>, %arg3: memref<2560x128xi32, #tpu.memory_space<hbm>>, %arg4: memref<10240x128xf32, #tpu.memory_space<hbm>>, %arg5: memref<10240x128xf32, #tpu.memory_space<hbm>>, %arg6: memref<20480x128xf32, #tpu.memory_space<hbm>>, %arg7: memref<8x128xi32, #tpu.memory_space<vmem>>, %arg8: memref<8x128xi32, #tpu.memory_space<vmem>>, %arg9: memref<128x128xf32, #tpu.memory_space<vmem>>, %arg10: memref<128x128xf32, #tpu.memory_space<vmem>>, %arg11: memref<10240x128xf32, #tpu.memory_space<vmem_shared>>, %arg12: memref<!tpu.dma_semaphore, #tpu.memory_space<semaphore_mem>>, %arg13: memref<!tpu.dma_semaphore, #tpu.memory_space<semaphore_mem>>, %arg14: memref<!tpu.dma_semaphore, #tpu.memory_space<semaphore_mem>>, %arg15: memref<!tpu.dma_semaphore, #tpu.memory_space<semaphore_mem>>) attributes {dimension_semantics = [#tpu.dimension_semantics<core_parallel>, #tpu.dimension_semantics<subcore_parallel>], iteration_bounds = array<i64: 2, 16>, scalar_prefetch = 0 : i64, scratch_operands = 9 : i64, tpu.core_type = #tpu.core_type<sc_vector_subcore>, window_params = [{transform_indices = #map}, {transform_indices = #map}, {transform_indices = #map}, {transform_indices = #map}, {transform_indices = #map}]} {
    %mul3A = arith.constant 16 : i32
    %mul3A_0 = arith.muli %arg0, %mul3A : i32
    %add3A = arith.addi %mul3A_0, %arg1 : i32
    %mul3A_1 = arith.constant 640 : i32
    %mul3A_2 = arith.muli %arg1, %mul3A_1 : i32
    %mul3A_3 = arith.constant 640 : i32
    %mul3A_4 = arith.muli %arg1, %mul3A_3 : i32
    "tpu.region"() ({
      %run_scoped3A = tpu.sem_alloc : memref<!tpu.dma_semaphore, #tpu.memory_space<semaphore_mem>>
      %dma_start3A = arith.constant 0 : i32
      %dma_start3A_18 = tpu.memref_slice %arg11[%mul3A_4, %dma_start3A] : memref<10240x128xf32, #tpu.memory_space<vmem_shared>> -> memref<640x128xf32, #tpu.memory_space<vmem_shared>>
      %dma_start3A_19 = arith.constant 0 : i32
      %dma_start3A_20 = tpu.memref_slice %arg5[%mul3A_2, %dma_start3A_19] : memref<10240x128xf32, #tpu.memory_space<hbm>> -> memref<640x128xf32, #tpu.memory_space<hbm>>
      tpu.enqueue_dma source(%dma_start3A_20 : memref<640x128xf32, #tpu.memory_space<hbm>>) target(%dma_start3A_18 : memref<640x128xf32, #tpu.memory_space<vmem_shared>>) target_semaphore(%run_scoped3A : memref<!tpu.dma_semaphore, #tpu.memory_space<semaphore_mem>>)
      %dma_wait3A = arith.constant 0 : i32
      %dma_wait3A_21 = tpu.memref_slice %arg11[%mul3A_4, %dma_wait3A] : memref<10240x128xf32, #tpu.memory_space<vmem_shared>> -> memref<640x128xf32, #tpu.memory_space<vmem_shared>>
      %dma_wait3A_22 = arith.constant 0 : i32
      %dma_wait3A_23 = tpu.memref_slice %arg5[%mul3A_2, %dma_wait3A_22] : memref<10240x128xf32, #tpu.memory_space<hbm>> -> memref<640x128xf32, #tpu.memory_space<hbm>>
      tpu.wait_dma2 semaphore(%run_scoped3A : memref<!tpu.dma_semaphore, #tpu.memory_space<semaphore_mem>>) src(%dma_wait3A_23 : memref<640x128xf32, #tpu.memory_space<hbm>>) dst(%dma_wait3A_21 : memref<640x128xf32, #tpu.memory_space<vmem_shared>>)
      tpu.yield
    }) : () -> ()
    %barrier3A = arith.constant 0 : index
    tpu.barrier barrier_id(%barrier3A)
    %scan3A = arith.constant 0 : i32
    %scan3A_5 = arith.constant 0 : i32
    %scan3A_6 = arith.constant 10 : i32
    %scan3A_7 = arith.addi %scan3A_5, %scan3A_6 : i32
    %scan3A_8 = arith.constant 1 : i32
    scf.for %scan3A_18 = %scan3A_5 to %scan3A_7 step %scan3A_8  : i32 {
      %mul3A_19 = arith.constant 80 : i32
      %mul3A_20 = arith.muli %add3A, %mul3A_19 : i32
      %mul3A_21 = arith.constant 8 : i32
      %mul3A_22 = arith.muli %scan3A_18, %mul3A_21 : i32
      %add3A_23 = arith.addi %mul3A_20, %mul3A_22 : i32
      "tpu.region"() ({
        %run_scoped3A = tpu.sem_alloc : memref<!tpu.dma_semaphore, #tpu.memory_space<semaphore_mem>>
        %dma_start3A_246 = arith.constant 0 : i32
        %dma_start3A_247 = tpu.memref_slice %arg2[%add3A_23, %dma_start3A_246] : memref<2560x128xi32, #tpu.memory_space<hbm>> -> memref<8x128xi32, #tpu.memory_space<hbm>>
        %dma_start3A_248 = arith.constant 0 : i32
        %dma_start3A_249 = tpu.memref_slice %arg2[%add3A_23, %dma_start3A_248] : memref<2560x128xi32, #tpu.memory_space<hbm>> -> memref<8x128xi32, #tpu.memory_space<hbm>>
        tpu.enqueue_dma source(%dma_start3A_249 : memref<8x128xi32, #tpu.memory_space<hbm>>) target(%arg7 : memref<8x128xi32, #tpu.memory_space<vmem>>) target_semaphore(%run_scoped3A : memref<!tpu.dma_semaphore, #tpu.memory_space<semaphore_mem>>)
        %dma_wait3A_250 = arith.constant 0 : i32
        %dma_wait3A_251 = tpu.memref_slice %arg2[%add3A_23, %dma_wait3A_250] : memref<2560x128xi32, #tpu.memory_space<hbm>> -> memref<8x128xi32, #tpu.memory_space<hbm>>
        %dma_wait3A_252 = arith.constant 0 : i32
        %dma_wait3A_253 = tpu.memref_slice %arg2[%add3A_23, %dma_wait3A_252] : memref<2560x128xi32, #tpu.memory_space<hbm>> -> memref<8x128xi32, #tpu.memory_space<hbm>>
        tpu.wait_dma2 semaphore(%run_scoped3A : memref<!tpu.dma_semaphore, #tpu.memory_space<semaphore_mem>>) src(%dma_wait3A_253 : memref<8x128xi32, #tpu.memory_space<hbm>>) dst(%arg7 : memref<8x128xi32, #tpu.memory_space<vmem>>)
        tpu.yield
      }) : () -> ()
      "tpu.region"() ({
        %run_scoped3A = tpu.sem_alloc : memref<!tpu.dma_semaphore, #tpu.memory_space<semaphore_mem>>
        %dma_start3A_246 = arith.constant 0 : i32
        %dma_start3A_247 = tpu.memref_slice %arg3[%add3A_23, %dma_start3A_246] : memref<2560x128xi32, #tpu.memory_space<hbm>> -> memref<8x128xi32, #tpu.memory_space<hbm>>
        %dma_start3A_248 = arith.constant 0 : i32
        %dma_start3A_249 = tpu.memref_slice %arg3[%add3A_23, %dma_start3A_248] : memref<2560x128xi32, #tpu.memory_space<hbm>> -> memref<8x128xi32, #tpu.memory_space<hbm>>
        tpu.enqueue_dma source(%dma_start3A_249 : memref<8x128xi32, #tpu.memory_space<hbm>>) target(%arg8 : memref<8x128xi32, #tpu.memory_space<vmem>>) target_semaphore(%run_scoped3A : memref<!tpu.dma_semaphore, #tpu.memory_space<semaphore_mem>>)
        %dma_wait3A_250 = arith.constant 0 : i32
        %dma_wait3A_251 = tpu.memref_slice %arg3[%add3A_23, %dma_wait3A_250] : memref<2560x128xi32, #tpu.memory_space<hbm>> -> memref<8x128xi32, #tpu.memory_space<hbm>>
        %dma_wait3A_252 = arith.constant 0 : i32
        %dma_wait3A_253 = tpu.memref_slice %arg3[%add3A_23, %dma_wait3A_252] : memref<2560x128xi32, #tpu.memory_space<hbm>> -> memref<8x128xi32, #tpu.memory_space<hbm>>
        tpu.wait_dma2 semaphore(%run_scoped3A : memref<!tpu.dma_semaphore, #tpu.memory_space<semaphore_mem>>) src(%dma_wait3A_253 : memref<8x128xi32, #tpu.memory_space<hbm>>) dst(%arg8 : memref<8x128xi32, #tpu.memory_space<vmem>>)
        tpu.yield
      }) : () -> ()
      %dma_start3A = arith.constant 0 : i32
      %dma_start3A_24 = arith.constant 0 : i32
      %dma_start3A_25 = tpu.memref_slice %arg7[%dma_start3A, %dma_start3A_24] : memref<8x128xi32, #tpu.memory_space<vmem>> -> memref<1x128xi32, #tpu.memory_space<vmem>>
      %dma_start3A_26 = tpu.memref_squeeze %dma_start3A_25 : memref<1x128xi32, #tpu.memory_space<vmem>> -> memref<128xi32, #tpu.memory_space<vmem>>
      %dma_start3A_27 = arith.constant 0 : i32
      %dma_start3A_28 = arith.constant 0 : i32
      %dma_start3A_29 = tpu.memref_slice %arg4[%dma_start3A_27, %dma_start3A_28] : memref<10240x128xf32, #tpu.memory_space<hbm>> -> memref<10240x128xf32, #tpu.memory_space<hbm>>
      tpu.enqueue_indirect_dma source(%dma_start3A_29 : memref<10240x128xf32, #tpu.memory_space<hbm>>) target(%arg9 : memref<128x128xf32, #tpu.memory_space<vmem>>) offsets(%dma_start3A_26 : memref<128xi32, #tpu.memory_space<vmem>>) semaphore(%arg12 : memref<!tpu.dma_semaphore, #tpu.memory_space<semaphore_mem>>)
      %dma_start3A_30 = arith.constant 1 : i32
      %dma_start3A_31 = arith.constant 0 : i32
      %dma_start3A_32 = tpu.memref_slice %arg7[%dma_start3A_30, %dma_start3A_31] : memref<8x128xi32, #tpu.memory_space<vmem>> -> memref<1x128xi32, #tpu.memory_space<vmem>>
      %dma_start3A_33 = tpu.memref_squeeze %dma_start3A_32 : memref<1x128xi32, #tpu.memory_space<vmem>> -> memref<128xi32, #tpu.memory_space<vmem>>
      %dma_start3A_34 = arith.constant 0 : i32
      %dma_start3A_35 = arith.constant 0 : i32
      %dma_start3A_36 = tpu.memref_slice %arg4[%dma_start3A_34, %dma_start3A_35] : memref<10240x128xf32, #tpu.memory_space<hbm>> -> memref<10240x128xf32, #tpu.memory_space<hbm>>
      tpu.enqueue_indirect_dma source(%dma_start3A_36 : memref<10240x128xf32, #tpu.memory_space<hbm>>) target(%arg10 : memref<128x128xf32, #tpu.memory_space<vmem>>) offsets(%dma_start3A_33 : memref<128xi32, #tpu.memory_space<vmem>>) semaphore(%arg13 : memref<!tpu.dma_semaphore, #tpu.memory_space<semaphore_mem>>)
      %dma_wait3A = arith.constant 0 : i32
      %dma_wait3A_37 = arith.constant 0 : i32
      %dma_wait3A_38 = tpu.memref_slice %arg7[%dma_wait3A, %dma_wait3A_37] : memref<8x128xi32, #tpu.memory_space<vmem>> -> memref<1x128xi32, #tpu.memory_space<vmem>>
      %dma_wait3A_39 = tpu.memref_squeeze %dma_wait3A_38 : memref<1x128xi32, #tpu.memory_space<vmem>> -> memref<128xi32, #tpu.memory_space<vmem>>
      %dma_wait3A_40 = arith.constant 0 : i32
      %dma_wait3A_41 = arith.constant 0 : i32
      %dma_wait3A_42 = tpu.memref_slice %arg4[%dma_wait3A_40, %dma_wait3A_41] : memref<10240x128xf32, #tpu.memory_space<hbm>> -> memref<10240x128xf32, #tpu.memory_space<hbm>>
      tpu.wait_indirect_dma semaphore(%arg12 : memref<!tpu.dma_semaphore, #tpu.memory_space<semaphore_mem>>) src(%dma_wait3A_42 : memref<10240x128xf32, #tpu.memory_space<hbm>>) dst(%arg9 : memref<128x128xf32, #tpu.memory_space<vmem>>)
      %dma_start3A_43 = arith.constant 0 : i32
      %dma_start3A_44 = arith.constant 0 : i32
      %dma_start3A_45 = tpu.memref_slice %arg8[%dma_start3A_43, %dma_start3A_44] : memref<8x128xi32, #tpu.memory_space<vmem>> -> memref<1x128xi32, #tpu.memory_space<vmem>>
      %dma_start3A_46 = tpu.memref_squeeze %dma_start3A_45 : memref<1x128xi32, #tpu.memory_space<vmem>> -> memref<128xi32, #tpu.memory_space<vmem>>
      %dma_start3A_47 = arith.constant 0 : i32
      %dma_start3A_48 = arith.constant 0 : i32
      %dma_start3A_49 = tpu.memref_slice %arg11[%dma_start3A_47, %dma_start3A_48] : memref<10240x128xf32, #tpu.memory_space<vmem_shared>> -> memref<10240x128xf32, #tpu.memory_space<vmem_shared>>
      tpu.enqueue_indirect_dma source(%arg9 : memref<128x128xf32, #tpu.memory_space<vmem>>) target(%dma_start3A_49 : memref<10240x128xf32, #tpu.memory_space<vmem_shared>>) offsets(%dma_start3A_46 : memref<128xi32, #tpu.memory_space<vmem>>) semaphore(%arg14 : memref<!tpu.dma_semaphore, #tpu.memory_space<semaphore_mem>>) {add = true}
      %dma_wait3A_50 = arith.constant 0 : i32
      %dma_wait3A_51 = arith.constant 0 : i32
      %dma_wait3A_52 = tpu.memref_slice %arg8[%dma_wait3A_50, %dma_wait3A_51] : memref<8x128xi32, #tpu.memory_space<vmem>> -> memref<1x128xi32, #tpu.memory_space<vmem>>
      %dma_wait3A_53 = tpu.memref_squeeze %dma_wait3A_52 : memref<1x128xi32, #tpu.memory_space<vmem>> -> memref<128xi32, #tpu.memory_space<vmem>>
      %dma_wait3A_54 = arith.constant 0 : i32
      %dma_wait3A_55 = arith.constant 0 : i32
      %dma_wait3A_56 = tpu.memref_slice %arg11[%dma_wait3A_54, %dma_wait3A_55] : memref<10240x128xf32, #tpu.memory_space<vmem_shared>> -> memref<10240x128xf32, #tpu.memory_space<vmem_shared>>
      tpu.wait_indirect_dma semaphore(%arg14 : memref<!tpu.dma_semaphore, #tpu.memory_space<semaphore_mem>>) src(%arg9 : memref<128x128xf32, #tpu.memory_space<vmem>>) dst(%dma_wait3A_56 : memref<10240x128xf32, #tpu.memory_space<vmem_shared>>)
      %dma_start3A_57 = arith.constant 2 : i32
      %dma_start3A_58 = arith.constant 0 : i32
      %dma_start3A_59 = tpu.memref_slice %arg7[%dma_start3A_57, %dma_start3A_58] : memref<8x128xi32, #tpu.memory_space<vmem>> -> memref<1x128xi32, #tpu.memory_space<vmem>>
      %dma_start3A_60 = tpu.memref_squeeze %dma_start3A_59 : memref<1x128xi32, #tpu.memory_space<vmem>> -> memref<128xi32, #tpu.memory_space<vmem>>
      %dma_start3A_61 = arith.constant 0 : i32
      %dma_start3A_62 = arith.constant 0 : i32
      %dma_start3A_63 = tpu.memref_slice %arg4[%dma_start3A_61, %dma_start3A_62] : memref<10240x128xf32, #tpu.memory_space<hbm>> -> memref<10240x128xf32, #tpu.memory_space<hbm>>
      tpu.enqueue_indirect_dma source(%dma_start3A_63 : memref<10240x128xf32, #tpu.memory_space<hbm>>) target(%arg9 : memref<128x128xf32, #tpu.memory_space<vmem>>) offsets(%dma_start3A_60 : memref<128xi32, #tpu.memory_space<vmem>>) semaphore(%arg12 : memref<!tpu.dma_semaphore, #tpu.memory_space<semaphore_mem>>)
      %dma_wait3A_64 = arith.constant 1 : i32
      %dma_wait3A_65 = arith.constant 0 : i32
      %dma_wait3A_66 = tpu.memref_slice %arg7[%dma_wait3A_64, %dma_wait3A_65] : memref<8x128xi32, #tpu.memory_space<vmem>> -> memref<1x128xi32, #tpu.memory_space<vmem>>
      %dma_wait3A_67 = tpu.memref_squeeze %dma_wait3A_66 : memref<1x128xi32, #tpu.memory_space<vmem>> -> memref<128xi32, #tpu.memory_space<vmem>>
      %dma_wait3A_68 = arith.constant 0 : i32
      %dma_wait3A_69 = arith.constant 0 : i32
      %dma_wait3A_70 = tpu.memref_slice %arg4[%dma_wait3A_68, %dma_wait3A_69] : memref<10240x128xf32, #tpu.memory_space<hbm>> -> memref<10240x128xf32, #tpu.memory_space<hbm>>
      tpu.wait_indirect_dma semaphore(%arg13 : memref<!tpu.dma_semaphore, #tpu.memory_space<semaphore_mem>>) src(%dma_wait3A_70 : memref<10240x128xf32, #tpu.memory_space<hbm>>) dst(%arg10 : memref<128x128xf32, #tpu.memory_space<vmem>>)
      %dma_start3A_71 = arith.constant 1 : i32
      %dma_start3A_72 = arith.constant 0 : i32
      %dma_start3A_73 = tpu.memref_slice %arg8[%dma_start3A_71, %dma_start3A_72] : memref<8x128xi32, #tpu.memory_space<vmem>> -> memref<1x128xi32, #tpu.memory_space<vmem>>
      %dma_start3A_74 = tpu.memref_squeeze %dma_start3A_73 : memref<1x128xi32, #tpu.memory_space<vmem>> -> memref<128xi32, #tpu.memory_space<vmem>>
      %dma_start3A_75 = arith.constant 0 : i32
      %dma_start3A_76 = arith.constant 0 : i32
      %dma_start3A_77 = tpu.memref_slice %arg11[%dma_start3A_75, %dma_start3A_76] : memref<10240x128xf32, #tpu.memory_space<vmem_shared>> -> memref<10240x128xf32, #tpu.memory_space<vmem_shared>>
      tpu.enqueue_indirect_dma source(%arg10 : memref<128x128xf32, #tpu.memory_space<vmem>>) target(%dma_start3A_77 : memref<10240x128xf32, #tpu.memory_space<vmem_shared>>) offsets(%dma_start3A_74 : memref<128xi32, #tpu.memory_space<vmem>>) semaphore(%arg15 : memref<!tpu.dma_semaphore, #tpu.memory_space<semaphore_mem>>) {add = true}
      %dma_wait3A_78 = arith.constant 1 : i32
      %dma_wait3A_79 = arith.constant 0 : i32
      %dma_wait3A_80 = tpu.memref_slice %arg8[%dma_wait3A_78, %dma_wait3A_79] : memref<8x128xi32, #tpu.memory_space<vmem>> -> memref<1x128xi32, #tpu.memory_space<vmem>>
      %dma_wait3A_81 = tpu.memref_squeeze %dma_wait3A_80 : memref<1x128xi32, #tpu.memory_space<vmem>> -> memref<128xi32, #tpu.memory_space<vmem>>
      %dma_wait3A_82 = arith.constant 0 : i32
      %dma_wait3A_83 = arith.constant 0 : i32
      %dma_wait3A_84 = tpu.memref_slice %arg11[%dma_wait3A_82, %dma_wait3A_83] : memref<10240x128xf32, #tpu.memory_space<vmem_shared>> -> memref<10240x128xf32, #tpu.memory_space<vmem_shared>>
      tpu.wait_indirect_dma semaphore(%arg15 : memref<!tpu.dma_semaphore, #tpu.memory_space<semaphore_mem>>) src(%arg10 : memref<128x128xf32, #tpu.memory_space<vmem>>) dst(%dma_wait3A_84 : memref<10240x128xf32, #tpu.memory_space<vmem_shared>>)
      %dma_start3A_85 = arith.constant 3 : i32
      %dma_start3A_86 = arith.constant 0 : i32
      %dma_start3A_87 = tpu.memref_slice %arg7[%dma_start3A_85, %dma_start3A_86] : memref<8x128xi32, #tpu.memory_space<vmem>> -> memref<1x128xi32, #tpu.memory_space<vmem>>
      %dma_start3A_88 = tpu.memref_squeeze %dma_start3A_87 : memref<1x128xi32, #tpu.memory_space<vmem>> -> memref<128xi32, #tpu.memory_space<vmem>>
      %dma_start3A_89 = arith.constant 0 : i32
      %dma_start3A_90 = arith.constant 0 : i32
      %dma_start3A_91 = tpu.memref_slice %arg4[%dma_start3A_89, %dma_start3A_90] : memref<10240x128xf32, #tpu.memory_space<hbm>> -> memref<10240x128xf32, #tpu.memory_space<hbm>>
      tpu.enqueue_indirect_dma source(%dma_start3A_91 : memref<10240x128xf32, #tpu.memory_space<hbm>>) target(%arg10 : memref<128x128xf32, #tpu.memory_space<vmem>>) offsets(%dma_start3A_88 : memref<128xi32, #tpu.memory_space<vmem>>) semaphore(%arg13 : memref<!tpu.dma_semaphore, #tpu.memory_space<semaphore_mem>>)
      %dma_wait3A_92 = arith.constant 2 : i32
      %dma_wait3A_93 = arith.constant 0 : i32
      %dma_wait3A_94 = tpu.memref_slice %arg7[%dma_wait3A_92, %dma_wait3A_93] : memref<8x128xi32, #tpu.memory_space<vmem>> -> memref<1x128xi32, #tpu.memory_space<vmem>>
      %dma_wait3A_95 = tpu.memref_squeeze %dma_wait3A_94 : memref<1x128xi32, #tpu.memory_space<vmem>> -> memref<128xi32, #tpu.memory_space<vmem>>
      %dma_wait3A_96 = arith.constant 0 : i32
      %dma_wait3A_97 = arith.constant 0 : i32
      %dma_wait3A_98 = tpu.memref_slice %arg4[%dma_wait3A_96, %dma_wait3A_97] : memref<10240x128xf32, #tpu.memory_space<hbm>> -> memref<10240x128xf32, #tpu.memory_space<hbm>>
      tpu.wait_indirect_dma semaphore(%arg12 : memref<!tpu.dma_semaphore, #tpu.memory_space<semaphore_mem>>) src(%dma_wait3A_98 : memref<10240x128xf32, #tpu.memory_space<hbm>>) dst(%arg9 : memref<128x128xf32, #tpu.memory_space<vmem>>)
      %dma_start3A_99 = arith.constant 2 : i32
      %dma_start3A_100 = arith.constant 0 : i32
      %dma_start3A_101 = tpu.memref_slice %arg8[%dma_start3A_99, %dma_start3A_100] : memref<8x128xi32, #tpu.memory_space<vmem>> -> memref<1x128xi32, #tpu.memory_space<vmem>>
      %dma_start3A_102 = tpu.memref_squeeze %dma_start3A_101 : memref<1x128xi32, #tpu.memory_space<vmem>> -> memref<128xi32, #tpu.memory_space<vmem>>
      %dma_start3A_103 = arith.constant 0 : i32
      %dma_start3A_104 = arith.constant 0 : i32
      %dma_start3A_105 = tpu.memref_slice %arg11[%dma_start3A_103, %dma_start3A_104] : memref<10240x128xf32, #tpu.memory_space<vmem_shared>> -> memref<10240x128xf32, #tpu.memory_space<vmem_shared>>
      tpu.enqueue_indirect_dma source(%arg9 : memref<128x128xf32, #tpu.memory_space<vmem>>) target(%dma_start3A_105 : memref<10240x128xf32, #tpu.memory_space<vmem_shared>>) offsets(%dma_start3A_102 : memref<128xi32, #tpu.memory_space<vmem>>) semaphore(%arg14 : memref<!tpu.dma_semaphore, #tpu.memory_space<semaphore_mem>>) {add = true}
      %dma_wait3A_106 = arith.constant 2 : i32
      %dma_wait3A_107 = arith.constant 0 : i32
      %dma_wait3A_108 = tpu.memref_slice %arg8[%dma_wait3A_106, %dma_wait3A_107] : memref<8x128xi32, #tpu.memory_space<vmem>> -> memref<1x128xi32, #tpu.memory_space<vmem>>
      %dma_wait3A_109 = tpu.memref_squeeze %dma_wait3A_108 : memref<1x128xi32, #tpu.memory_space<vmem>> -> memref<128xi32, #tpu.memory_space<vmem>>
      %dma_wait3A_110 = arith.constant 0 : i32
      %dma_wait3A_111 = arith.constant 0 : i32
      %dma_wait3A_112 = tpu.memref_slice %arg11[%dma_wait3A_110, %dma_wait3A_111] : memref<10240x128xf32, #tpu.memory_space<vmem_shared>> -> memref<10240x128xf32, #tpu.memory_space<vmem_shared>>
      tpu.wait_indirect_dma semaphore(%arg14 : memref<!tpu.dma_semaphore, #tpu.memory_space<semaphore_mem>>) src(%arg9 : memref<128x128xf32, #tpu.memory_space<vmem>>) dst(%dma_wait3A_112 : memref<10240x128xf32, #tpu.memory_space<vmem_shared>>)
      %dma_start3A_113 = arith.constant 4 : i32
      %dma_start3A_114 = arith.constant 0 : i32
      %dma_start3A_115 = tpu.memref_slice %arg7[%dma_start3A_113, %dma_start3A_114] : memref<8x128xi32, #tpu.memory_space<vmem>> -> memref<1x128xi32, #tpu.memory_space<vmem>>
      %dma_start3A_116 = tpu.memref_squeeze %dma_start3A_115 : memref<1x128xi32, #tpu.memory_space<vmem>> -> memref<128xi32, #tpu.memory_space<vmem>>
      %dma_start3A_117 = arith.constant 0 : i32
      %dma_start3A_118 = arith.constant 0 : i32
      %dma_start3A_119 = tpu.memref_slice %arg4[%dma_start3A_117, %dma_start3A_118] : memref<10240x128xf32, #tpu.memory_space<hbm>> -> memref<10240x128xf32, #tpu.memory_space<hbm>>
      tpu.enqueue_indirect_dma source(%dma_start3A_119 : memref<10240x128xf32, #tpu.memory_space<hbm>>) target(%arg9 : memref<128x128xf32, #tpu.memory_space<vmem>>) offsets(%dma_start3A_116 : memref<128xi32, #tpu.memory_space<vmem>>) semaphore(%arg12 : memref<!tpu.dma_semaphore, #tpu.memory_space<semaphore_mem>>)
      %dma_wait3A_120 = arith.constant 3 : i32
      %dma_wait3A_121 = arith.constant 0 : i32
      %dma_wait3A_122 = tpu.memref_slice %arg7[%dma_wait3A_120, %dma_wait3A_121] : memref<8x128xi32, #tpu.memory_space<vmem>> -> memref<1x128xi32, #tpu.memory_space<vmem>>
      %dma_wait3A_123 = tpu.memref_squeeze %dma_wait3A_122 : memref<1x128xi32, #tpu.memory_space<vmem>> -> memref<128xi32, #tpu.memory_space<vmem>>
      %dma_wait3A_124 = arith.constant 0 : i32
      %dma_wait3A_125 = arith.constant 0 : i32
      %dma_wait3A_126 = tpu.memref_slice %arg4[%dma_wait3A_124, %dma_wait3A_125] : memref<10240x128xf32, #tpu.memory_space<hbm>> -> memref<10240x128xf32, #tpu.memory_space<hbm>>
      tpu.wait_indirect_dma semaphore(%arg13 : memref<!tpu.dma_semaphore, #tpu.memory_space<semaphore_mem>>) src(%dma_wait3A_126 : memref<10240x128xf32, #tpu.memory_space<hbm>>) dst(%arg10 : memref<128x128xf32, #tpu.memory_space<vmem>>)
      %dma_start3A_127 = arith.constant 3 : i32
      %dma_start3A_128 = arith.constant 0 : i32
      %dma_start3A_129 = tpu.memref_slice %arg8[%dma_start3A_127, %dma_start3A_128] : memref<8x128xi32, #tpu.memory_space<vmem>> -> memref<1x128xi32, #tpu.memory_space<vmem>>
      %dma_start3A_130 = tpu.memref_squeeze %dma_start3A_129 : memref<1x128xi32, #tpu.memory_space<vmem>> -> memref<128xi32, #tpu.memory_space<vmem>>
      %dma_start3A_131 = arith.constant 0 : i32
      %dma_start3A_132 = arith.constant 0 : i32
      %dma_start3A_133 = tpu.memref_slice %arg11[%dma_start3A_131, %dma_start3A_132] : memref<10240x128xf32, #tpu.memory_space<vmem_shared>> -> memref<10240x128xf32, #tpu.memory_space<vmem_shared>>
      tpu.enqueue_indirect_dma source(%arg10 : memref<128x128xf32, #tpu.memory_space<vmem>>) target(%dma_start3A_133 : memref<10240x128xf32, #tpu.memory_space<vmem_shared>>) offsets(%dma_start3A_130 : memref<128xi32, #tpu.memory_space<vmem>>) semaphore(%arg15 : memref<!tpu.dma_semaphore, #tpu.memory_space<semaphore_mem>>) {add = true}
      %dma_wait3A_134 = arith.constant 3 : i32
      %dma_wait3A_135 = arith.constant 0 : i32
      %dma_wait3A_136 = tpu.memref_slice %arg8[%dma_wait3A_134, %dma_wait3A_135] : memref<8x128xi32, #tpu.memory_space<vmem>> -> memref<1x128xi32, #tpu.memory_space<vmem>>
      %dma_wait3A_137 = tpu.memref_squeeze %dma_wait3A_136 : memref<1x128xi32, #tpu.memory_space<vmem>> -> memref<128xi32, #tpu.memory_space<vmem>>
      %dma_wait3A_138 = arith.constant 0 : i32
      %dma_wait3A_139 = arith.constant 0 : i32
      %dma_wait3A_140 = tpu.memref_slice %arg11[%dma_wait3A_138, %dma_wait3A_139] : memref<10240x128xf32, #tpu.memory_space<vmem_shared>> -> memref<10240x128xf32, #tpu.memory_space<vmem_shared>>
      tpu.wait_indirect_dma semaphore(%arg15 : memref<!tpu.dma_semaphore, #tpu.memory_space<semaphore_mem>>) src(%arg10 : memref<128x128xf32, #tpu.memory_space<vmem>>) dst(%dma_wait3A_140 : memref<10240x128xf32, #tpu.memory_space<vmem_shared>>)
      %dma_start3A_141 = arith.constant 5 : i32
      %dma_start3A_142 = arith.constant 0 : i32
      %dma_start3A_143 = tpu.memref_slice %arg7[%dma_start3A_141, %dma_start3A_142] : memref<8x128xi32, #tpu.memory_space<vmem>> -> memref<1x128xi32, #tpu.memory_space<vmem>>
      %dma_start3A_144 = tpu.memref_squeeze %dma_start3A_143 : memref<1x128xi32, #tpu.memory_space<vmem>> -> memref<128xi32, #tpu.memory_space<vmem>>
      %dma_start3A_145 = arith.constant 0 : i32
      %dma_start3A_146 = arith.constant 0 : i32
      %dma_start3A_147 = tpu.memref_slice %arg4[%dma_start3A_145, %dma_start3A_146] : memref<10240x128xf32, #tpu.memory_space<hbm>> -> memref<10240x128xf32, #tpu.memory_space<hbm>>
      tpu.enqueue_indirect_dma source(%dma_start3A_147 : memref<10240x128xf32, #tpu.memory_space<hbm>>) target(%arg10 : memref<128x128xf32, #tpu.memory_space<vmem>>) offsets(%dma_start3A_144 : memref<128xi32, #tpu.memory_space<vmem>>) semaphore(%arg13 : memref<!tpu.dma_semaphore, #tpu.memory_space<semaphore_mem>>)
      %dma_wait3A_148 = arith.constant 4 : i32
      %dma_wait3A_149 = arith.constant 0 : i32
      %dma_wait3A_150 = tpu.memref_slice %arg7[%dma_wait3A_148, %dma_wait3A_149] : memref<8x128xi32, #tpu.memory_space<vmem>> -> memref<1x128xi32, #tpu.memory_space<vmem>>
      %dma_wait3A_151 = tpu.memref_squeeze %dma_wait3A_150 : memref<1x128xi32, #tpu.memory_space<vmem>> -> memref<128xi32, #tpu.memory_space<vmem>>
      %dma_wait3A_152 = arith.constant 0 : i32
      %dma_wait3A_153 = arith.constant 0 : i32
      %dma_wait3A_154 = tpu.memref_slice %arg4[%dma_wait3A_152, %dma_wait3A_153] : memref<10240x128xf32, #tpu.memory_space<hbm>> -> memref<10240x128xf32, #tpu.memory_space<hbm>>
      tpu.wait_indirect_dma semaphore(%arg12 : memref<!tpu.dma_semaphore, #tpu.memory_space<semaphore_mem>>) src(%dma_wait3A_154 : memref<10240x128xf32, #tpu.memory_space<hbm>>) dst(%arg9 : memref<128x128xf32, #tpu.memory_space<vmem>>)
      %dma_start3A_155 = arith.constant 4 : i32
      %dma_start3A_156 = arith.constant 0 : i32
      %dma_start3A_157 = tpu.memref_slice %arg8[%dma_start3A_155, %dma_start3A_156] : memref<8x128xi32, #tpu.memory_space<vmem>> -> memref<1x128xi32, #tpu.memory_space<vmem>>
      %dma_start3A_158 = tpu.memref_squeeze %dma_start3A_157 : memref<1x128xi32, #tpu.memory_space<vmem>> -> memref<128xi32, #tpu.memory_space<vmem>>
      %dma_start3A_159 = arith.constant 0 : i32
      %dma_start3A_160 = arith.constant 0 : i32
      %dma_start3A_161 = tpu.memref_slice %arg11[%dma_start3A_159, %dma_start3A_160] : memref<10240x128xf32, #tpu.memory_space<vmem_shared>> -> memref<10240x128xf32, #tpu.memory_space<vmem_shared>>
      tpu.enqueue_indirect_dma source(%arg9 : memref<128x128xf32, #tpu.memory_space<vmem>>) target(%dma_start3A_161 : memref<10240x128xf32, #tpu.memory_space<vmem_shared>>) offsets(%dma_start3A_158 : memref<128xi32, #tpu.memory_space<vmem>>) semaphore(%arg14 : memref<!tpu.dma_semaphore, #tpu.memory_space<semaphore_mem>>) {add = true}
      %dma_wait3A_162 = arith.constant 4 : i32
      %dma_wait3A_163 = arith.constant 0 : i32
      %dma_wait3A_164 = tpu.memref_slice %arg8[%dma_wait3A_162, %dma_wait3A_163] : memref<8x128xi32, #tpu.memory_space<vmem>> -> memref<1x128xi32, #tpu.memory_space<vmem>>
      %dma_wait3A_165 = tpu.memref_squeeze %dma_wait3A_164 : memref<1x128xi32, #tpu.memory_space<vmem>> -> memref<128xi32, #tpu.memory_space<vmem>>
      %dma_wait3A_166 = arith.constant 0 : i32
      %dma_wait3A_167 = arith.constant 0 : i32
      %dma_wait3A_168 = tpu.memref_slice %arg11[%dma_wait3A_166, %dma_wait3A_167] : memref<10240x128xf32, #tpu.memory_space<vmem_shared>> -> memref<10240x128xf32, #tpu.memory_space<vmem_shared>>
      tpu.wait_indirect_dma semaphore(%arg14 : memref<!tpu.dma_semaphore, #tpu.memory_space<semaphore_mem>>) src(%arg9 : memref<128x128xf32, #tpu.memory_space<vmem>>) dst(%dma_wait3A_168 : memref<10240x128xf32, #tpu.memory_space<vmem_shared>>)
      %dma_start3A_169 = arith.constant 6 : i32
      %dma_start3A_170 = arith.constant 0 : i32
      %dma_start3A_171 = tpu.memref_slice %arg7[%dma_start3A_169, %dma_start3A_170] : memref<8x128xi32, #tpu.memory_space<vmem>> -> memref<1x128xi32, #tpu.memory_space<vmem>>
      %dma_start3A_172 = tpu.memref_squeeze %dma_start3A_171 : memref<1x128xi32, #tpu.memory_space<vmem>> -> memref<128xi32, #tpu.memory_space<vmem>>
      %dma_start3A_173 = arith.constant 0 : i32
      %dma_start3A_174 = arith.constant 0 : i32
      %dma_start3A_175 = tpu.memref_slice %arg4[%dma_start3A_173, %dma_start3A_174] : memref<10240x128xf32, #tpu.memory_space<hbm>> -> memref<10240x128xf32, #tpu.memory_space<hbm>>
      tpu.enqueue_indirect_dma source(%dma_start3A_175 : memref<10240x128xf32, #tpu.memory_space<hbm>>) target(%arg9 : memref<128x128xf32, #tpu.memory_space<vmem>>) offsets(%dma_start3A_172 : memref<128xi32, #tpu.memory_space<vmem>>) semaphore(%arg12 : memref<!tpu.dma_semaphore, #tpu.memory_space<semaphore_mem>>)
      %dma_wait3A_176 = arith.constant 5 : i32
      %dma_wait3A_177 = arith.constant 0 : i32
      %dma_wait3A_178 = tpu.memref_slice %arg7[%dma_wait3A_176, %dma_wait3A_177] : memref<8x128xi32, #tpu.memory_space<vmem>> -> memref<1x128xi32, #tpu.memory_space<vmem>>
      %dma_wait3A_179 = tpu.memref_squeeze %dma_wait3A_178 : memref<1x128xi32, #tpu.memory_space<vmem>> -> memref<128xi32, #tpu.memory_space<vmem>>
      %dma_wait3A_180 = arith.constant 0 : i32
      %dma_wait3A_181 = arith.constant 0 : i32
      %dma_wait3A_182 = tpu.memref_slice %arg4[%dma_wait3A_180, %dma_wait3A_181] : memref<10240x128xf32, #tpu.memory_space<hbm>> -> memref<10240x128xf32, #tpu.memory_space<hbm>>
      tpu.wait_indirect_dma semaphore(%arg13 : memref<!tpu.dma_semaphore, #tpu.memory_space<semaphore_mem>>) src(%dma_wait3A_182 : memref<10240x128xf32, #tpu.memory_space<hbm>>) dst(%arg10 : memref<128x128xf32, #tpu.memory_space<vmem>>)
      %dma_start3A_183 = arith.constant 5 : i32
      %dma_start3A_184 = arith.constant 0 : i32
      %dma_start3A_185 = tpu.memref_slice %arg8[%dma_start3A_183, %dma_start3A_184] : memref<8x128xi32, #tpu.memory_space<vmem>> -> memref<1x128xi32, #tpu.memory_space<vmem>>
      %dma_start3A_186 = tpu.memref_squeeze %dma_start3A_185 : memref<1x128xi32, #tpu.memory_space<vmem>> -> memref<128xi32, #tpu.memory_space<vmem>>
      %dma_start3A_187 = arith.constant 0 : i32
      %dma_start3A_188 = arith.constant 0 : i32
      %dma_start3A_189 = tpu.memref_slice %arg11[%dma_start3A_187, %dma_start3A_188] : memref<10240x128xf32, #tpu.memory_space<vmem_shared>> -> memref<10240x128xf32, #tpu.memory_space<vmem_shared>>
      tpu.enqueue_indirect_dma source(%arg10 : memref<128x128xf32, #tpu.memory_space<vmem>>) target(%dma_start3A_189 : memref<10240x128xf32, #tpu.memory_space<vmem_shared>>) offsets(%dma_start3A_186 : memref<128xi32, #tpu.memory_space<vmem>>) semaphore(%arg15 : memref<!tpu.dma_semaphore, #tpu.memory_space<semaphore_mem>>) {add = true}
      %dma_wait3A_190 = arith.constant 5 : i32
      %dma_wait3A_191 = arith.constant 0 : i32
      %dma_wait3A_192 = tpu.memref_slice %arg8[%dma_wait3A_190, %dma_wait3A_191] : memref<8x128xi32, #tpu.memory_space<vmem>> -> memref<1x128xi32, #tpu.memory_space<vmem>>
      %dma_wait3A_193 = tpu.memref_squeeze %dma_wait3A_192 : memref<1x128xi32, #tpu.memory_space<vmem>> -> memref<128xi32, #tpu.memory_space<vmem>>
      %dma_wait3A_194 = arith.constant 0 : i32
      %dma_wait3A_195 = arith.constant 0 : i32
      %dma_wait3A_196 = tpu.memref_slice %arg11[%dma_wait3A_194, %dma_wait3A_195] : memref<10240x128xf32, #tpu.memory_space<vmem_shared>> -> memref<10240x128xf32, #tpu.memory_space<vmem_shared>>
      tpu.wait_indirect_dma semaphore(%arg15 : memref<!tpu.dma_semaphore, #tpu.memory_space<semaphore_mem>>) src(%arg10 : memref<128x128xf32, #tpu.memory_space<vmem>>) dst(%dma_wait3A_196 : memref<10240x128xf32, #tpu.memory_space<vmem_shared>>)
      %dma_start3A_197 = arith.constant 7 : i32
      %dma_start3A_198 = arith.constant 0 : i32
      %dma_start3A_199 = tpu.memref_slice %arg7[%dma_start3A_197, %dma_start3A_198] : memref<8x128xi32, #tpu.memory_space<vmem>> -> memref<1x128xi32, #tpu.memory_space<vmem>>
      %dma_start3A_200 = tpu.memref_squeeze %dma_start3A_199 : memref<1x128xi32, #tpu.memory_space<vmem>> -> memref<128xi32, #tpu.memory_space<vmem>>
      %dma_start3A_201 = arith.constant 0 : i32
      %dma_start3A_202 = arith.constant 0 : i32
      %dma_start3A_203 = tpu.memref_slice %arg4[%dma_start3A_201, %dma_start3A_202] : memref<10240x128xf32, #tpu.memory_space<hbm>> -> memref<10240x128xf32, #tpu.memory_space<hbm>>
      tpu.enqueue_indirect_dma source(%dma_start3A_203 : memref<10240x128xf32, #tpu.memory_space<hbm>>) target(%arg10 : memref<128x128xf32, #tpu.memory_space<vmem>>) offsets(%dma_start3A_200 : memref<128xi32, #tpu.memory_space<vmem>>) semaphore(%arg13 : memref<!tpu.dma_semaphore, #tpu.memory_space<semaphore_mem>>)
      %dma_wait3A_204 = arith.constant 6 : i32
      %dma_wait3A_205 = arith.constant 0 : i32
      %dma_wait3A_206 = tpu.memref_slice %arg7[%dma_wait3A_204, %dma_wait3A_205] : memref<8x128xi32, #tpu.memory_space<vmem>> -> memref<1x128xi32, #tpu.memory_space<vmem>>
      %dma_wait3A_207 = tpu.memref_squeeze %dma_wait3A_206 : memref<1x128xi32, #tpu.memory_space<vmem>> -> memref<128xi32, #tpu.memory_space<vmem>>
      %dma_wait3A_208 = arith.constant 0 : i32
      %dma_wait3A_209 = arith.constant 0 : i32
      %dma_wait3A_210 = tpu.memref_slice %arg4[%dma_wait3A_208, %dma_wait3A_209] : memref<10240x128xf32, #tpu.memory_space<hbm>> -> memref<10240x128xf32, #tpu.memory_space<hbm>>
      tpu.wait_indirect_dma semaphore(%arg12 : memref<!tpu.dma_semaphore, #tpu.memory_space<semaphore_mem>>) src(%dma_wait3A_210 : memref<10240x128xf32, #tpu.memory_space<hbm>>) dst(%arg9 : memref<128x128xf32, #tpu.memory_space<vmem>>)
      %dma_start3A_211 = arith.constant 6 : i32
      %dma_start3A_212 = arith.constant 0 : i32
      %dma_start3A_213 = tpu.memref_slice %arg8[%dma_start3A_211, %dma_start3A_212] : memref<8x128xi32, #tpu.memory_space<vmem>> -> memref<1x128xi32, #tpu.memory_space<vmem>>
      %dma_start3A_214 = tpu.memref_squeeze %dma_start3A_213 : memref<1x128xi32, #tpu.memory_space<vmem>> -> memref<128xi32, #tpu.memory_space<vmem>>
      %dma_start3A_215 = arith.constant 0 : i32
      %dma_start3A_216 = arith.constant 0 : i32
      %dma_start3A_217 = tpu.memref_slice %arg11[%dma_start3A_215, %dma_start3A_216] : memref<10240x128xf32, #tpu.memory_space<vmem_shared>> -> memref<10240x128xf32, #tpu.memory_space<vmem_shared>>
      tpu.enqueue_indirect_dma source(%arg9 : memref<128x128xf32, #tpu.memory_space<vmem>>) target(%dma_start3A_217 : memref<10240x128xf32, #tpu.memory_space<vmem_shared>>) offsets(%dma_start3A_214 : memref<128xi32, #tpu.memory_space<vmem>>) semaphore(%arg14 : memref<!tpu.dma_semaphore, #tpu.memory_space<semaphore_mem>>) {add = true}
      %dma_wait3A_218 = arith.constant 7 : i32
      %dma_wait3A_219 = arith.constant 0 : i32
      %dma_wait3A_220 = tpu.memref_slice %arg7[%dma_wait3A_218, %dma_wait3A_219] : memref<8x128xi32, #tpu.memory_space<vmem>> -> memref<1x128xi32, #tpu.memory_space<vmem>>
      %dma_wait3A_221 = tpu.memref_squeeze %dma_wait3A_220 : memref<1x128xi32, #tpu.memory_space<vmem>> -> memref<128xi32, #tpu.memory_space<vmem>>
      %dma_wait3A_222 = arith.constant 0 : i32
      %dma_wait3A_223 = arith.constant 0 : i32
      %dma_wait3A_224 = tpu.memref_slice %arg4[%dma_wait3A_222, %dma_wait3A_223] : memref<10240x128xf32, #tpu.memory_space<hbm>> -> memref<10240x128xf32, #tpu.memory_space<hbm>>
      tpu.wait_indirect_dma semaphore(%arg13 : memref<!tpu.dma_semaphore, #tpu.memory_space<semaphore_mem>>) src(%dma_wait3A_224 : memref<10240x128xf32, #tpu.memory_space<hbm>>) dst(%arg10 : memref<128x128xf32, #tpu.memory_space<vmem>>)
      %dma_start3A_225 = arith.constant 7 : i32
      %dma_start3A_226 = arith.constant 0 : i32
      %dma_start3A_227 = tpu.memref_slice %arg8[%dma_start3A_225, %dma_start3A_226] : memref<8x128xi32, #tpu.memory_space<vmem>> -> memref<1x128xi32, #tpu.memory_space<vmem>>
      %dma_start3A_228 = tpu.memref_squeeze %dma_start3A_227 : memref<1x128xi32, #tpu.memory_space<vmem>> -> memref<128xi32, #tpu.memory_space<vmem>>
      %dma_start3A_229 = arith.constant 0 : i32
      %dma_start3A_230 = arith.constant 0 : i32
      %dma_start3A_231 = tpu.memref_slice %arg11[%dma_start3A_229, %dma_start3A_230] : memref<10240x128xf32, #tpu.memory_space<vmem_shared>> -> memref<10240x128xf32, #tpu.memory_space<vmem_shared>>
      tpu.enqueue_indirect_dma source(%arg10 : memref<128x128xf32, #tpu.memory_space<vmem>>) target(%dma_start3A_231 : memref<10240x128xf32, #tpu.memory_space<vmem_shared>>) offsets(%dma_start3A_228 : memref<128xi32, #tpu.memory_space<vmem>>) semaphore(%arg15 : memref<!tpu.dma_semaphore, #tpu.memory_space<semaphore_mem>>) {add = true}
      %dma_wait3A_232 = arith.constant 6 : i32
      %dma_wait3A_233 = arith.constant 0 : i32
      %dma_wait3A_234 = tpu.memref_slice %arg8[%dma_wait3A_232, %dma_wait3A_233] : memref<8x128xi32, #tpu.memory_space<vmem>> -> memref<1x128xi32, #tpu.memory_space<vmem>>
      %dma_wait3A_235 = tpu.memref_squeeze %dma_wait3A_234 : memref<1x128xi32, #tpu.memory_space<vmem>> -> memref<128xi32, #tpu.memory_space<vmem>>
      %dma_wait3A_236 = arith.constant 0 : i32
      %dma_wait3A_237 = arith.constant 0 : i32
      %dma_wait3A_238 = tpu.memref_slice %arg11[%dma_wait3A_236, %dma_wait3A_237] : memref<10240x128xf32, #tpu.memory_space<vmem_shared>> -> memref<10240x128xf32, #tpu.memory_space<vmem_shared>>
      tpu.wait_indirect_dma semaphore(%arg14 : memref<!tpu.dma_semaphore, #tpu.memory_space<semaphore_mem>>) src(%arg9 : memref<128x128xf32, #tpu.memory_space<vmem>>) dst(%dma_wait3A_238 : memref<10240x128xf32, #tpu.memory_space<vmem_shared>>)
      %dma_wait3A_239 = arith.constant 7 : i32
      %dma_wait3A_240 = arith.constant 0 : i32
      %dma_wait3A_241 = tpu.memref_slice %arg8[%dma_wait3A_239, %dma_wait3A_240] : memref<8x128xi32, #tpu.memory_space<vmem>> -> memref<1x128xi32, #tpu.memory_space<vmem>>
      %dma_wait3A_242 = tpu.memref_squeeze %dma_wait3A_241 : memref<1x128xi32, #tpu.memory_space<vmem>> -> memref<128xi32, #tpu.memory_space<vmem>>
      %dma_wait3A_243 = arith.constant 0 : i32
      %dma_wait3A_244 = arith.constant 0 : i32
      %dma_wait3A_245 = tpu.memref_slice %arg11[%dma_wait3A_243, %dma_wait3A_244] : memref<10240x128xf32, #tpu.memory_space<vmem_shared>> -> memref<10240x128xf32, #tpu.memory_space<vmem_shared>>
      tpu.wait_indirect_dma semaphore(%arg15 : memref<!tpu.dma_semaphore, #tpu.memory_space<semaphore_mem>>) src(%arg10 : memref<128x128xf32, #tpu.memory_space<vmem>>) dst(%dma_wait3A_245 : memref<10240x128xf32, #tpu.memory_space<vmem_shared>>)
    }
    %scan3A_9 = arith.constant 10 : i32
    %barrier3A_10 = arith.constant 0 : index
    tpu.barrier barrier_id(%barrier3A_10)
    %mul3A_11 = arith.constant 640 : i32
    %mul3A_12 = arith.muli %arg1, %mul3A_11 : i32
    %mul3A_13 = arith.constant 10240 : i32
    %mul3A_14 = arith.muli %arg0, %mul3A_13 : i32
    %mul3A_15 = arith.constant 640 : i32
    %mul3A_16 = arith.muli %arg1, %mul3A_15 : i32
    %add3A_17 = arith.addi %mul3A_14, %mul3A_16 : i32
    "tpu.region"() ({
      %run_scoped3A = tpu.sem_alloc : memref<!tpu.dma_semaphore, #tpu.memory_space<semaphore_mem>>
      %dma_start3A = arith.constant 0 : i32
      %dma_start3A_18 = tpu.memref_slice %arg6[%add3A_17, %dma_start3A] : memref<20480x128xf32, #tpu.memory_space<hbm>> -> memref<640x128xf32, #tpu.memory_space<hbm>>
      %dma_start3A_19 = arith.constant 0 : i32
      %dma_start3A_20 = tpu.memref_slice %arg11[%mul3A_12, %dma_start3A_19] : memref<10240x128xf32, #tpu.memory_space<vmem_shared>> -> memref<640x128xf32, #tpu.memory_space<vmem_shared>>
      tpu.enqueue_dma source(%dma_start3A_20 : memref<640x128xf32, #tpu.memory_space<vmem_shared>>) target(%dma_start3A_18 : memref<640x128xf32, #tpu.memory_space<hbm>>) target_semaphore(%run_scoped3A : memref<!tpu.dma_semaphore, #tpu.memory_space<semaphore_mem>>)
      %dma_wait3A = arith.constant 0 : i32
      %dma_wait3A_21 = tpu.memref_slice %arg6[%add3A_17, %dma_wait3A] : memref<20480x128xf32, #tpu.memory_space<hbm>> -> memref<640x128xf32, #tpu.memory_space<hbm>>
      %dma_wait3A_22 = arith.constant 0 : i32
      %dma_wait3A_23 = tpu.memref_slice %arg11[%mul3A_12, %dma_wait3A_22] : memref<10240x128xf32, #tpu.memory_space<vmem_shared>> -> memref<640x128xf32, #tpu.memory_space<vmem_shared>>
      tpu.wait_dma2 semaphore(%run_scoped3A : memref<!tpu.dma_semaphore, #tpu.memory_space<semaphore_mem>>) src(%dma_wait3A_23 : memref<640x128xf32, #tpu.memory_space<vmem_shared>>) dst(%dma_wait3A_21 : memref<640x128xf32, #tpu.memory_space<hbm>>)
      tpu.yield
    }) : () -> ()
    return
  }
}

#map = affine_map<(d0, d1) -> (0, 0)>
module attributes {stable_mosaic.version = 14 : i64} {
  func.func @deg(%arg0: i32, %arg1: i32, %arg2: memref<2560x128xi32, #tpu.memory_space<hbm>>, %arg3: memref<128x128xf32, #tpu.memory_space<hbm>>, %arg4: memref<10240x128xf32, #tpu.memory_space<hbm>>, %arg5: memref<20480x128xf32, #tpu.memory_space<hbm>>, %arg6: memref<80x128xi32, #tpu.memory_space<vmem>>, %arg7: memref<128x128xf32, #tpu.memory_space<vmem>>, %arg8: memref<10240x128xf32, #tpu.memory_space<vmem_shared>>) attributes {dimension_semantics = [#tpu.dimension_semantics<core_parallel>, #tpu.dimension_semantics<subcore_parallel>], iteration_bounds = array<i64: 2, 16>, scalar_prefetch = 0 : i64, scratch_operands = 3 : i64, tpu.core_type = #tpu.core_type<sc_vector_subcore>, window_params = [{transform_indices = #map}, {transform_indices = #map}, {transform_indices = #map}, {transform_indices = #map}]} {
    %mul3A = arith.constant 16 : i32
    %mul3A_0 = arith.muli %arg0, %mul3A : i32
    %add3A = arith.addi %mul3A_0, %arg1 : i32
    %mul3A_1 = arith.constant 640 : i32
    %mul3A_2 = arith.muli %arg1, %mul3A_1 : i32
    %mul3A_3 = arith.constant 640 : i32
    %mul3A_4 = arith.muli %arg1, %mul3A_3 : i32
    "tpu.region"() ({
      %run_scoped3A = tpu.sem_alloc : memref<!tpu.dma_semaphore, #tpu.memory_space<semaphore_mem>>
      %dma_start3A = arith.constant 0 : i32
      %dma_start3A_20 = tpu.memref_slice %arg8[%mul3A_4, %dma_start3A] : memref<10240x128xf32, #tpu.memory_space<vmem_shared>> -> memref<640x128xf32, #tpu.memory_space<vmem_shared>>
      %dma_start3A_21 = arith.constant 0 : i32
      %dma_start3A_22 = tpu.memref_slice %arg4[%mul3A_2, %dma_start3A_21] : memref<10240x128xf32, #tpu.memory_space<hbm>> -> memref<640x128xf32, #tpu.memory_space<hbm>>
      tpu.enqueue_dma source(%dma_start3A_22 : memref<640x128xf32, #tpu.memory_space<hbm>>) target(%dma_start3A_20 : memref<640x128xf32, #tpu.memory_space<vmem_shared>>) target_semaphore(%run_scoped3A : memref<!tpu.dma_semaphore, #tpu.memory_space<semaphore_mem>>)
      %dma_wait3A = arith.constant 0 : i32
      %dma_wait3A_23 = tpu.memref_slice %arg8[%mul3A_4, %dma_wait3A] : memref<10240x128xf32, #tpu.memory_space<vmem_shared>> -> memref<640x128xf32, #tpu.memory_space<vmem_shared>>
      %dma_wait3A_24 = arith.constant 0 : i32
      %dma_wait3A_25 = tpu.memref_slice %arg4[%mul3A_2, %dma_wait3A_24] : memref<10240x128xf32, #tpu.memory_space<hbm>> -> memref<640x128xf32, #tpu.memory_space<hbm>>
      tpu.wait_dma2 semaphore(%run_scoped3A : memref<!tpu.dma_semaphore, #tpu.memory_space<semaphore_mem>>) src(%dma_wait3A_25 : memref<640x128xf32, #tpu.memory_space<hbm>>) dst(%dma_wait3A_23 : memref<640x128xf32, #tpu.memory_space<vmem_shared>>)
      tpu.yield
    }) : () -> ()
    "tpu.region"() ({
      %run_scoped3A = tpu.sem_alloc : memref<!tpu.dma_semaphore, #tpu.memory_space<semaphore_mem>>
      tpu.enqueue_dma source(%arg3 : memref<128x128xf32, #tpu.memory_space<hbm>>) target(%arg7 : memref<128x128xf32, #tpu.memory_space<vmem>>) target_semaphore(%run_scoped3A : memref<!tpu.dma_semaphore, #tpu.memory_space<semaphore_mem>>)
      tpu.wait_dma2 semaphore(%run_scoped3A : memref<!tpu.dma_semaphore, #tpu.memory_space<semaphore_mem>>) src(%arg3 : memref<128x128xf32, #tpu.memory_space<hbm>>) dst(%arg7 : memref<128x128xf32, #tpu.memory_space<vmem>>)
      tpu.yield
    }) : () -> ()
    %mul3A_5 = arith.constant 80 : i32
    %mul3A_6 = arith.muli %add3A, %mul3A_5 : i32
    "tpu.region"() ({
      %run_scoped3A = tpu.sem_alloc : memref<!tpu.dma_semaphore, #tpu.memory_space<semaphore_mem>>
      %dma_start3A = arith.constant 0 : i32
      %dma_start3A_20 = tpu.memref_slice %arg2[%mul3A_6, %dma_start3A] : memref<2560x128xi32, #tpu.memory_space<hbm>> -> memref<80x128xi32, #tpu.memory_space<hbm>>
      %dma_start3A_21 = arith.constant 0 : i32
      %dma_start3A_22 = tpu.memref_slice %arg2[%mul3A_6, %dma_start3A_21] : memref<2560x128xi32, #tpu.memory_space<hbm>> -> memref<80x128xi32, #tpu.memory_space<hbm>>
      tpu.enqueue_dma source(%dma_start3A_22 : memref<80x128xi32, #tpu.memory_space<hbm>>) target(%arg6 : memref<80x128xi32, #tpu.memory_space<vmem>>) target_semaphore(%run_scoped3A : memref<!tpu.dma_semaphore, #tpu.memory_space<semaphore_mem>>)
      %dma_wait3A = arith.constant 0 : i32
      %dma_wait3A_23 = tpu.memref_slice %arg2[%mul3A_6, %dma_wait3A] : memref<2560x128xi32, #tpu.memory_space<hbm>> -> memref<80x128xi32, #tpu.memory_space<hbm>>
      %dma_wait3A_24 = arith.constant 0 : i32
      %dma_wait3A_25 = tpu.memref_slice %arg2[%mul3A_6, %dma_wait3A_24] : memref<2560x128xi32, #tpu.memory_space<hbm>> -> memref<80x128xi32, #tpu.memory_space<hbm>>
      tpu.wait_dma2 semaphore(%run_scoped3A : memref<!tpu.dma_semaphore, #tpu.memory_space<semaphore_mem>>) src(%dma_wait3A_25 : memref<80x128xi32, #tpu.memory_space<hbm>>) dst(%arg6 : memref<80x128xi32, #tpu.memory_space<vmem>>)
      tpu.yield
    }) : () -> ()
    %barrier3A = arith.constant 0 : index
    tpu.barrier barrier_id(%barrier3A)
    %scan3A = arith.constant 0 : i32
    %scan3A_7 = arith.constant 0 : i32
    %scan3A_8 = arith.constant 80 : i32
    %scan3A_9 = arith.addi %scan3A_7, %scan3A_8 : i32
    %scan3A_10 = arith.constant 1 : i32
    scf.for %scan3A_20 = %scan3A_7 to %scan3A_9 step %scan3A_10  : i32 {
      "tpu.region"() ({
        %run_scoped3A = tpu.sem_alloc : memref<!tpu.dma_semaphore, #tpu.memory_space<semaphore_mem>>
        %dma_start3A = arith.constant 0 : i32
        %dma_start3A_21 = tpu.memref_slice %arg6[%scan3A_20, %dma_start3A] : memref<80x128xi32, #tpu.memory_space<vmem>> -> memref<1x128xi32, #tpu.memory_space<vmem>>
        %dma_start3A_22 = tpu.memref_squeeze %dma_start3A_21 : memref<1x128xi32, #tpu.memory_space<vmem>> -> memref<128xi32, #tpu.memory_space<vmem>>
        %dma_start3A_23 = arith.constant 0 : i32
        %dma_start3A_24 = arith.constant 0 : i32
        %dma_start3A_25 = tpu.memref_slice %arg8[%dma_start3A_23, %dma_start3A_24] : memref<10240x128xf32, #tpu.memory_space<vmem_shared>> -> memref<10240x128xf32, #tpu.memory_space<vmem_shared>>
        tpu.enqueue_indirect_dma source(%arg7 : memref<128x128xf32, #tpu.memory_space<vmem>>) target(%dma_start3A_25 : memref<10240x128xf32, #tpu.memory_space<vmem_shared>>) offsets(%dma_start3A_22 : memref<128xi32, #tpu.memory_space<vmem>>) semaphore(%run_scoped3A : memref<!tpu.dma_semaphore, #tpu.memory_space<semaphore_mem>>) {add = true}
        %dma_wait3A = arith.constant 0 : i32
        %dma_wait3A_26 = tpu.memref_slice %arg6[%scan3A_20, %dma_wait3A] : memref<80x128xi32, #tpu.memory_space<vmem>> -> memref<1x128xi32, #tpu.memory_space<vmem>>
        %dma_wait3A_27 = tpu.memref_squeeze %dma_wait3A_26 : memref<1x128xi32, #tpu.memory_space<vmem>> -> memref<128xi32, #tpu.memory_space<vmem>>
        %dma_wait3A_28 = arith.constant 0 : i32
        %dma_wait3A_29 = arith.constant 0 : i32
        %dma_wait3A_30 = tpu.memref_slice %arg8[%dma_wait3A_28, %dma_wait3A_29] : memref<10240x128xf32, #tpu.memory_space<vmem_shared>> -> memref<10240x128xf32, #tpu.memory_space<vmem_shared>>
        tpu.wait_indirect_dma semaphore(%run_scoped3A : memref<!tpu.dma_semaphore, #tpu.memory_space<semaphore_mem>>) src(%arg7 : memref<128x128xf32, #tpu.memory_space<vmem>>) dst(%dma_wait3A_30 : memref<10240x128xf32, #tpu.memory_space<vmem_shared>>)
        tpu.yield
      }) : () -> ()
    }
    %scan3A_11 = arith.constant 80 : i32
    %barrier3A_12 = arith.constant 0 : index
    tpu.barrier barrier_id(%barrier3A_12)
    %mul3A_13 = arith.constant 640 : i32
    %mul3A_14 = arith.muli %arg1, %mul3A_13 : i32
    %mul3A_15 = arith.constant 10240 : i32
    %mul3A_16 = arith.muli %arg0, %mul3A_15 : i32
    %mul3A_17 = arith.constant 640 : i32
    %mul3A_18 = arith.muli %arg1, %mul3A_17 : i32
    %add3A_19 = arith.addi %mul3A_16, %mul3A_18 : i32
    "tpu.region"() ({
      %run_scoped3A = tpu.sem_alloc : memref<!tpu.dma_semaphore, #tpu.memory_space<semaphore_mem>>
      %dma_start3A = arith.constant 0 : i32
      %dma_start3A_20 = tpu.memref_slice %arg5[%add3A_19, %dma_start3A] : memref<20480x128xf32, #tpu.memory_space<hbm>> -> memref<640x128xf32, #tpu.memory_space<hbm>>
      %dma_start3A_21 = arith.constant 0 : i32
      %dma_start3A_22 = tpu.memref_slice %arg8[%mul3A_14, %dma_start3A_21] : memref<10240x128xf32, #tpu.memory_space<vmem_shared>> -> memref<640x128xf32, #tpu.memory_space<vmem_shared>>
      tpu.enqueue_dma source(%dma_start3A_22 : memref<640x128xf32, #tpu.memory_space<vmem_shared>>) target(%dma_start3A_20 : memref<640x128xf32, #tpu.memory_space<hbm>>) target_semaphore(%run_scoped3A : memref<!tpu.dma_semaphore, #tpu.memory_space<semaphore_mem>>)
      %dma_wait3A = arith.constant 0 : i32
      %dma_wait3A_23 = tpu.memref_slice %arg5[%add3A_19, %dma_wait3A] : memref<20480x128xf32, #tpu.memory_space<hbm>> -> memref<640x128xf32, #tpu.memory_space<hbm>>
      %dma_wait3A_24 = arith.constant 0 : i32
      %dma_wait3A_25 = tpu.memref_slice %arg8[%mul3A_14, %dma_wait3A_24] : memref<10240x128xf32, #tpu.memory_space<vmem_shared>> -> memref<640x128xf32, #tpu.memory_space<vmem_shared>>
      tpu.wait_dma2 semaphore(%run_scoped3A : memref<!tpu.dma_semaphore, #tpu.memory_space<semaphore_mem>>) src(%dma_wait3A_25 : memref<640x128xf32, #tpu.memory_space<vmem_shared>>) dst(%dma_wait3A_23 : memref<640x128xf32, #tpu.memory_space<hbm>>)
      tpu.yield
    }) : () -> ()
    return
  }
}

#map = affine_map<(d0, d1) -> (0, 0)>
module attributes {stable_mosaic.version = 14 : i64} {
  func.func @prop(%arg0: i32, %arg1: i32, %arg2: memref<2560x128xi32, #tpu.memory_space<hbm>>, %arg3: memref<2560x128xi32, #tpu.memory_space<hbm>>, %arg4: memref<10240x128xf32, #tpu.memory_space<hbm>>, %arg5: memref<10240x128xf32, #tpu.memory_space<hbm>>, %arg6: memref<20480x128xf32, #tpu.memory_space<hbm>>, %arg7: memref<8x128xi32, #tpu.memory_space<vmem>>, %arg8: memref<8x128xi32, #tpu.memory_space<vmem>>, %arg9: memref<128x128xf32, #tpu.memory_space<vmem>>, %arg10: memref<128x128xf32, #tpu.memory_space<vmem>>, %arg11: memref<10240x128xf32, #tpu.memory_space<vmem_shared>>, %arg12: memref<!tpu.dma_semaphore, #tpu.memory_space<semaphore_mem>>, %arg13: memref<!tpu.dma_semaphore, #tpu.memory_space<semaphore_mem>>, %arg14: memref<!tpu.dma_semaphore, #tpu.memory_space<semaphore_mem>>, %arg15: memref<!tpu.dma_semaphore, #tpu.memory_space<semaphore_mem>>) attributes {dimension_semantics = [#tpu.dimension_semantics<core_parallel>, #tpu.dimension_semantics<subcore_parallel>], iteration_bounds = array<i64: 2, 16>, scalar_prefetch = 0 : i64, scratch_operands = 9 : i64, tpu.core_type = #tpu.core_type<sc_vector_subcore>, window_params = [{transform_indices = #map}, {transform_indices = #map}, {transform_indices = #map}, {transform_indices = #map}, {transform_indices = #map}]} {
    %mul3A = arith.constant 16 : i32
    %mul3A_0 = arith.muli %arg0, %mul3A : i32
    %add3A = arith.addi %mul3A_0, %arg1 : i32
    %mul3A_1 = arith.constant 640 : i32
    %mul3A_2 = arith.muli %arg1, %mul3A_1 : i32
    %mul3A_3 = arith.constant 640 : i32
    %mul3A_4 = arith.muli %arg1, %mul3A_3 : i32
    "tpu.region"() ({
      %run_scoped3A = tpu.sem_alloc : memref<!tpu.dma_semaphore, #tpu.memory_space<semaphore_mem>>
      %dma_start3A = arith.constant 0 : i32
      %dma_start3A_18 = tpu.memref_slice %arg11[%mul3A_4, %dma_start3A] : memref<10240x128xf32, #tpu.memory_space<vmem_shared>> -> memref<640x128xf32, #tpu.memory_space<vmem_shared>>
      %dma_start3A_19 = arith.constant 0 : i32
      %dma_start3A_20 = tpu.memref_slice %arg5[%mul3A_2, %dma_start3A_19] : memref<10240x128xf32, #tpu.memory_space<hbm>> -> memref<640x128xf32, #tpu.memory_space<hbm>>
      tpu.enqueue_dma source(%dma_start3A_20 : memref<640x128xf32, #tpu.memory_space<hbm>>) target(%dma_start3A_18 : memref<640x128xf32, #tpu.memory_space<vmem_shared>>) target_semaphore(%run_scoped3A : memref<!tpu.dma_semaphore, #tpu.memory_space<semaphore_mem>>)
      %dma_wait3A = arith.constant 0 : i32
      %dma_wait3A_21 = tpu.memref_slice %arg11[%mul3A_4, %dma_wait3A] : memref<10240x128xf32, #tpu.memory_space<vmem_shared>> -> memref<640x128xf32, #tpu.memory_space<vmem_shared>>
      %dma_wait3A_22 = arith.constant 0 : i32
      %dma_wait3A_23 = tpu.memref_slice %arg5[%mul3A_2, %dma_wait3A_22] : memref<10240x128xf32, #tpu.memory_space<hbm>> -> memref<640x128xf32, #tpu.memory_space<hbm>>
      tpu.wait_dma2 semaphore(%run_scoped3A : memref<!tpu.dma_semaphore, #tpu.memory_space<semaphore_mem>>) src(%dma_wait3A_23 : memref<640x128xf32, #tpu.memory_space<hbm>>) dst(%dma_wait3A_21 : memref<640x128xf32, #tpu.memory_space<vmem_shared>>)
      tpu.yield
    }) : () -> ()
    %barrier3A = arith.constant 0 : index
    tpu.barrier barrier_id(%barrier3A)
    %scan3A = arith.constant 0 : i32
    %scan3A_5 = arith.constant 0 : i32
    %scan3A_6 = arith.constant 10 : i32
    %scan3A_7 = arith.addi %scan3A_5, %scan3A_6 : i32
    %scan3A_8 = arith.constant 1 : i32
    scf.for %scan3A_18 = %scan3A_5 to %scan3A_7 step %scan3A_8  : i32 {
      %mul3A_19 = arith.constant 80 : i32
      %mul3A_20 = arith.muli %add3A, %mul3A_19 : i32
      %mul3A_21 = arith.constant 8 : i32
      %mul3A_22 = arith.muli %scan3A_18, %mul3A_21 : i32
      %add3A_23 = arith.addi %mul3A_20, %mul3A_22 : i32
      "tpu.region"() ({
        %run_scoped3A = tpu.sem_alloc : memref<!tpu.dma_semaphore, #tpu.memory_space<semaphore_mem>>
        %dma_start3A_246 = arith.constant 0 : i32
        %dma_start3A_247 = tpu.memref_slice %arg2[%add3A_23, %dma_start3A_246] : memref<2560x128xi32, #tpu.memory_space<hbm>> -> memref<8x128xi32, #tpu.memory_space<hbm>>
        %dma_start3A_248 = arith.constant 0 : i32
        %dma_start3A_249 = tpu.memref_slice %arg2[%add3A_23, %dma_start3A_248] : memref<2560x128xi32, #tpu.memory_space<hbm>> -> memref<8x128xi32, #tpu.memory_space<hbm>>
        tpu.enqueue_dma source(%dma_start3A_249 : memref<8x128xi32, #tpu.memory_space<hbm>>) target(%arg7 : memref<8x128xi32, #tpu.memory_space<vmem>>) target_semaphore(%run_scoped3A : memref<!tpu.dma_semaphore, #tpu.memory_space<semaphore_mem>>)
        %dma_wait3A_250 = arith.constant 0 : i32
        %dma_wait3A_251 = tpu.memref_slice %arg2[%add3A_23, %dma_wait3A_250] : memref<2560x128xi32, #tpu.memory_space<hbm>> -> memref<8x128xi32, #tpu.memory_space<hbm>>
        %dma_wait3A_252 = arith.constant 0 : i32
        %dma_wait3A_253 = tpu.memref_slice %arg2[%add3A_23, %dma_wait3A_252] : memref<2560x128xi32, #tpu.memory_space<hbm>> -> memref<8x128xi32, #tpu.memory_space<hbm>>
        tpu.wait_dma2 semaphore(%run_scoped3A : memref<!tpu.dma_semaphore, #tpu.memory_space<semaphore_mem>>) src(%dma_wait3A_253 : memref<8x128xi32, #tpu.memory_space<hbm>>) dst(%arg7 : memref<8x128xi32, #tpu.memory_space<vmem>>)
        tpu.yield
      }) : () -> ()
      "tpu.region"() ({
        %run_scoped3A = tpu.sem_alloc : memref<!tpu.dma_semaphore, #tpu.memory_space<semaphore_mem>>
        %dma_start3A_246 = arith.constant 0 : i32
        %dma_start3A_247 = tpu.memref_slice %arg3[%add3A_23, %dma_start3A_246] : memref<2560x128xi32, #tpu.memory_space<hbm>> -> memref<8x128xi32, #tpu.memory_space<hbm>>
        %dma_start3A_248 = arith.constant 0 : i32
        %dma_start3A_249 = tpu.memref_slice %arg3[%add3A_23, %dma_start3A_248] : memref<2560x128xi32, #tpu.memory_space<hbm>> -> memref<8x128xi32, #tpu.memory_space<hbm>>
        tpu.enqueue_dma source(%dma_start3A_249 : memref<8x128xi32, #tpu.memory_space<hbm>>) target(%arg8 : memref<8x128xi32, #tpu.memory_space<vmem>>) target_semaphore(%run_scoped3A : memref<!tpu.dma_semaphore, #tpu.memory_space<semaphore_mem>>)
        %dma_wait3A_250 = arith.constant 0 : i32
        %dma_wait3A_251 = tpu.memref_slice %arg3[%add3A_23, %dma_wait3A_250] : memref<2560x128xi32, #tpu.memory_space<hbm>> -> memref<8x128xi32, #tpu.memory_space<hbm>>
        %dma_wait3A_252 = arith.constant 0 : i32
        %dma_wait3A_253 = tpu.memref_slice %arg3[%add3A_23, %dma_wait3A_252] : memref<2560x128xi32, #tpu.memory_space<hbm>> -> memref<8x128xi32, #tpu.memory_space<hbm>>
        tpu.wait_dma2 semaphore(%run_scoped3A : memref<!tpu.dma_semaphore, #tpu.memory_space<semaphore_mem>>) src(%dma_wait3A_253 : memref<8x128xi32, #tpu.memory_space<hbm>>) dst(%arg8 : memref<8x128xi32, #tpu.memory_space<vmem>>)
        tpu.yield
      }) : () -> ()
      %dma_start3A = arith.constant 0 : i32
      %dma_start3A_24 = arith.constant 0 : i32
      %dma_start3A_25 = tpu.memref_slice %arg7[%dma_start3A, %dma_start3A_24] : memref<8x128xi32, #tpu.memory_space<vmem>> -> memref<1x128xi32, #tpu.memory_space<vmem>>
      %dma_start3A_26 = tpu.memref_squeeze %dma_start3A_25 : memref<1x128xi32, #tpu.memory_space<vmem>> -> memref<128xi32, #tpu.memory_space<vmem>>
      %dma_start3A_27 = arith.constant 0 : i32
      %dma_start3A_28 = arith.constant 0 : i32
      %dma_start3A_29 = tpu.memref_slice %arg4[%dma_start3A_27, %dma_start3A_28] : memref<10240x128xf32, #tpu.memory_space<hbm>> -> memref<10240x128xf32, #tpu.memory_space<hbm>>
      tpu.enqueue_indirect_dma source(%dma_start3A_29 : memref<10240x128xf32, #tpu.memory_space<hbm>>) target(%arg9 : memref<128x128xf32, #tpu.memory_space<vmem>>) offsets(%dma_start3A_26 : memref<128xi32, #tpu.memory_space<vmem>>) semaphore(%arg12 : memref<!tpu.dma_semaphore, #tpu.memory_space<semaphore_mem>>)
      %dma_start3A_30 = arith.constant 1 : i32
      %dma_start3A_31 = arith.constant 0 : i32
      %dma_start3A_32 = tpu.memref_slice %arg7[%dma_start3A_30, %dma_start3A_31] : memref<8x128xi32, #tpu.memory_space<vmem>> -> memref<1x128xi32, #tpu.memory_space<vmem>>
      %dma_start3A_33 = tpu.memref_squeeze %dma_start3A_32 : memref<1x128xi32, #tpu.memory_space<vmem>> -> memref<128xi32, #tpu.memory_space<vmem>>
      %dma_start3A_34 = arith.constant 0 : i32
      %dma_start3A_35 = arith.constant 0 : i32
      %dma_start3A_36 = tpu.memref_slice %arg4[%dma_start3A_34, %dma_start3A_35] : memref<10240x128xf32, #tpu.memory_space<hbm>> -> memref<10240x128xf32, #tpu.memory_space<hbm>>
      tpu.enqueue_indirect_dma source(%dma_start3A_36 : memref<10240x128xf32, #tpu.memory_space<hbm>>) target(%arg10 : memref<128x128xf32, #tpu.memory_space<vmem>>) offsets(%dma_start3A_33 : memref<128xi32, #tpu.memory_space<vmem>>) semaphore(%arg13 : memref<!tpu.dma_semaphore, #tpu.memory_space<semaphore_mem>>)
      %dma_wait3A = arith.constant 0 : i32
      %dma_wait3A_37 = arith.constant 0 : i32
      %dma_wait3A_38 = tpu.memref_slice %arg7[%dma_wait3A, %dma_wait3A_37] : memref<8x128xi32, #tpu.memory_space<vmem>> -> memref<1x128xi32, #tpu.memory_space<vmem>>
      %dma_wait3A_39 = tpu.memref_squeeze %dma_wait3A_38 : memref<1x128xi32, #tpu.memory_space<vmem>> -> memref<128xi32, #tpu.memory_space<vmem>>
      %dma_wait3A_40 = arith.constant 0 : i32
      %dma_wait3A_41 = arith.constant 0 : i32
      %dma_wait3A_42 = tpu.memref_slice %arg4[%dma_wait3A_40, %dma_wait3A_41] : memref<10240x128xf32, #tpu.memory_space<hbm>> -> memref<10240x128xf32, #tpu.memory_space<hbm>>
      tpu.wait_indirect_dma semaphore(%arg12 : memref<!tpu.dma_semaphore, #tpu.memory_space<semaphore_mem>>) src(%dma_wait3A_42 : memref<10240x128xf32, #tpu.memory_space<hbm>>) dst(%arg9 : memref<128x128xf32, #tpu.memory_space<vmem>>)
      %dma_start3A_43 = arith.constant 0 : i32
      %dma_start3A_44 = arith.constant 0 : i32
      %dma_start3A_45 = tpu.memref_slice %arg8[%dma_start3A_43, %dma_start3A_44] : memref<8x128xi32, #tpu.memory_space<vmem>> -> memref<1x128xi32, #tpu.memory_space<vmem>>
      %dma_start3A_46 = tpu.memref_squeeze %dma_start3A_45 : memref<1x128xi32, #tpu.memory_space<vmem>> -> memref<128xi32, #tpu.memory_space<vmem>>
      %dma_start3A_47 = arith.constant 0 : i32
      %dma_start3A_48 = arith.constant 0 : i32
      %dma_start3A_49 = tpu.memref_slice %arg11[%dma_start3A_47, %dma_start3A_48] : memref<10240x128xf32, #tpu.memory_space<vmem_shared>> -> memref<10240x128xf32, #tpu.memory_space<vmem_shared>>
      tpu.enqueue_indirect_dma source(%arg9 : memref<128x128xf32, #tpu.memory_space<vmem>>) target(%dma_start3A_49 : memref<10240x128xf32, #tpu.memory_space<vmem_shared>>) offsets(%dma_start3A_46 : memref<128xi32, #tpu.memory_space<vmem>>) semaphore(%arg14 : memref<!tpu.dma_semaphore, #tpu.memory_space<semaphore_mem>>) {add = true}
      %dma_wait3A_50 = arith.constant 0 : i32
      %dma_wait3A_51 = arith.constant 0 : i32
      %dma_wait3A_52 = tpu.memref_slice %arg8[%dma_wait3A_50, %dma_wait3A_51] : memref<8x128xi32, #tpu.memory_space<vmem>> -> memref<1x128xi32, #tpu.memory_space<vmem>>
      %dma_wait3A_53 = tpu.memref_squeeze %dma_wait3A_52 : memref<1x128xi32, #tpu.memory_space<vmem>> -> memref<128xi32, #tpu.memory_space<vmem>>
      %dma_wait3A_54 = arith.constant 0 : i32
      %dma_wait3A_55 = arith.constant 0 : i32
      %dma_wait3A_56 = tpu.memref_slice %arg11[%dma_wait3A_54, %dma_wait3A_55] : memref<10240x128xf32, #tpu.memory_space<vmem_shared>> -> memref<10240x128xf32, #tpu.memory_space<vmem_shared>>
      tpu.wait_indirect_dma semaphore(%arg14 : memref<!tpu.dma_semaphore, #tpu.memory_space<semaphore_mem>>) src(%arg9 : memref<128x128xf32, #tpu.memory_space<vmem>>) dst(%dma_wait3A_56 : memref<10240x128xf32, #tpu.memory_space<vmem_shared>>)
      %dma_start3A_57 = arith.constant 2 : i32
      %dma_start3A_58 = arith.constant 0 : i32
      %dma_start3A_59 = tpu.memref_slice %arg7[%dma_start3A_57, %dma_start3A_58] : memref<8x128xi32, #tpu.memory_space<vmem>> -> memref<1x128xi32, #tpu.memory_space<vmem>>
      %dma_start3A_60 = tpu.memref_squeeze %dma_start3A_59 : memref<1x128xi32, #tpu.memory_space<vmem>> -> memref<128xi32, #tpu.memory_space<vmem>>
      %dma_start3A_61 = arith.constant 0 : i32
      %dma_start3A_62 = arith.constant 0 : i32
      %dma_start3A_63 = tpu.memref_slice %arg4[%dma_start3A_61, %dma_start3A_62] : memref<10240x128xf32, #tpu.memory_space<hbm>> -> memref<10240x128xf32, #tpu.memory_space<hbm>>
      tpu.enqueue_indirect_dma source(%dma_start3A_63 : memref<10240x128xf32, #tpu.memory_space<hbm>>) target(%arg9 : memref<128x128xf32, #tpu.memory_space<vmem>>) offsets(%dma_start3A_60 : memref<128xi32, #tpu.memory_space<vmem>>) semaphore(%arg12 : memref<!tpu.dma_semaphore, #tpu.memory_space<semaphore_mem>>)
      %dma_wait3A_64 = arith.constant 1 : i32
      %dma_wait3A_65 = arith.constant 0 : i32
      %dma_wait3A_66 = tpu.memref_slice %arg7[%dma_wait3A_64, %dma_wait3A_65] : memref<8x128xi32, #tpu.memory_space<vmem>> -> memref<1x128xi32, #tpu.memory_space<vmem>>
      %dma_wait3A_67 = tpu.memref_squeeze %dma_wait3A_66 : memref<1x128xi32, #tpu.memory_space<vmem>> -> memref<128xi32, #tpu.memory_space<vmem>>
      %dma_wait3A_68 = arith.constant 0 : i32
      %dma_wait3A_69 = arith.constant 0 : i32
      %dma_wait3A_70 = tpu.memref_slice %arg4[%dma_wait3A_68, %dma_wait3A_69] : memref<10240x128xf32, #tpu.memory_space<hbm>> -> memref<10240x128xf32, #tpu.memory_space<hbm>>
      tpu.wait_indirect_dma semaphore(%arg13 : memref<!tpu.dma_semaphore, #tpu.memory_space<semaphore_mem>>) src(%dma_wait3A_70 : memref<10240x128xf32, #tpu.memory_space<hbm>>) dst(%arg10 : memref<128x128xf32, #tpu.memory_space<vmem>>)
      %dma_start3A_71 = arith.constant 1 : i32
      %dma_start3A_72 = arith.constant 0 : i32
      %dma_start3A_73 = tpu.memref_slice %arg8[%dma_start3A_71, %dma_start3A_72] : memref<8x128xi32, #tpu.memory_space<vmem>> -> memref<1x128xi32, #tpu.memory_space<vmem>>
      %dma_start3A_74 = tpu.memref_squeeze %dma_start3A_73 : memref<1x128xi32, #tpu.memory_space<vmem>> -> memref<128xi32, #tpu.memory_space<vmem>>
      %dma_start3A_75 = arith.constant 0 : i32
      %dma_start3A_76 = arith.constant 0 : i32
      %dma_start3A_77 = tpu.memref_slice %arg11[%dma_start3A_75, %dma_start3A_76] : memref<10240x128xf32, #tpu.memory_space<vmem_shared>> -> memref<10240x128xf32, #tpu.memory_space<vmem_shared>>
      tpu.enqueue_indirect_dma source(%arg10 : memref<128x128xf32, #tpu.memory_space<vmem>>) target(%dma_start3A_77 : memref<10240x128xf32, #tpu.memory_space<vmem_shared>>) offsets(%dma_start3A_74 : memref<128xi32, #tpu.memory_space<vmem>>) semaphore(%arg15 : memref<!tpu.dma_semaphore, #tpu.memory_space<semaphore_mem>>) {add = true}
      %dma_wait3A_78 = arith.constant 1 : i32
      %dma_wait3A_79 = arith.constant 0 : i32
      %dma_wait3A_80 = tpu.memref_slice %arg8[%dma_wait3A_78, %dma_wait3A_79] : memref<8x128xi32, #tpu.memory_space<vmem>> -> memref<1x128xi32, #tpu.memory_space<vmem>>
      %dma_wait3A_81 = tpu.memref_squeeze %dma_wait3A_80 : memref<1x128xi32, #tpu.memory_space<vmem>> -> memref<128xi32, #tpu.memory_space<vmem>>
      %dma_wait3A_82 = arith.constant 0 : i32
      %dma_wait3A_83 = arith.constant 0 : i32
      %dma_wait3A_84 = tpu.memref_slice %arg11[%dma_wait3A_82, %dma_wait3A_83] : memref<10240x128xf32, #tpu.memory_space<vmem_shared>> -> memref<10240x128xf32, #tpu.memory_space<vmem_shared>>
      tpu.wait_indirect_dma semaphore(%arg15 : memref<!tpu.dma_semaphore, #tpu.memory_space<semaphore_mem>>) src(%arg10 : memref<128x128xf32, #tpu.memory_space<vmem>>) dst(%dma_wait3A_84 : memref<10240x128xf32, #tpu.memory_space<vmem_shared>>)
      %dma_start3A_85 = arith.constant 3 : i32
      %dma_start3A_86 = arith.constant 0 : i32
      %dma_start3A_87 = tpu.memref_slice %arg7[%dma_start3A_85, %dma_start3A_86] : memref<8x128xi32, #tpu.memory_space<vmem>> -> memref<1x128xi32, #tpu.memory_space<vmem>>
      %dma_start3A_88 = tpu.memref_squeeze %dma_start3A_87 : memref<1x128xi32, #tpu.memory_space<vmem>> -> memref<128xi32, #tpu.memory_space<vmem>>
      %dma_start3A_89 = arith.constant 0 : i32
      %dma_start3A_90 = arith.constant 0 : i32
      %dma_start3A_91 = tpu.memref_slice %arg4[%dma_start3A_89, %dma_start3A_90] : memref<10240x128xf32, #tpu.memory_space<hbm>> -> memref<10240x128xf32, #tpu.memory_space<hbm>>
      tpu.enqueue_indirect_dma source(%dma_start3A_91 : memref<10240x128xf32, #tpu.memory_space<hbm>>) target(%arg10 : memref<128x128xf32, #tpu.memory_space<vmem>>) offsets(%dma_start3A_88 : memref<128xi32, #tpu.memory_space<vmem>>) semaphore(%arg13 : memref<!tpu.dma_semaphore, #tpu.memory_space<semaphore_mem>>)
      %dma_wait3A_92 = arith.constant 2 : i32
      %dma_wait3A_93 = arith.constant 0 : i32
      %dma_wait3A_94 = tpu.memref_slice %arg7[%dma_wait3A_92, %dma_wait3A_93] : memref<8x128xi32, #tpu.memory_space<vmem>> -> memref<1x128xi32, #tpu.memory_space<vmem>>
      %dma_wait3A_95 = tpu.memref_squeeze %dma_wait3A_94 : memref<1x128xi32, #tpu.memory_space<vmem>> -> memref<128xi32, #tpu.memory_space<vmem>>
      %dma_wait3A_96 = arith.constant 0 : i32
      %dma_wait3A_97 = arith.constant 0 : i32
      %dma_wait3A_98 = tpu.memref_slice %arg4[%dma_wait3A_96, %dma_wait3A_97] : memref<10240x128xf32, #tpu.memory_space<hbm>> -> memref<10240x128xf32, #tpu.memory_space<hbm>>
      tpu.wait_indirect_dma semaphore(%arg12 : memref<!tpu.dma_semaphore, #tpu.memory_space<semaphore_mem>>) src(%dma_wait3A_98 : memref<10240x128xf32, #tpu.memory_space<hbm>>) dst(%arg9 : memref<128x128xf32, #tpu.memory_space<vmem>>)
      %dma_start3A_99 = arith.constant 2 : i32
      %dma_start3A_100 = arith.constant 0 : i32
      %dma_start3A_101 = tpu.memref_slice %arg8[%dma_start3A_99, %dma_start3A_100] : memref<8x128xi32, #tpu.memory_space<vmem>> -> memref<1x128xi32, #tpu.memory_space<vmem>>
      %dma_start3A_102 = tpu.memref_squeeze %dma_start3A_101 : memref<1x128xi32, #tpu.memory_space<vmem>> -> memref<128xi32, #tpu.memory_space<vmem>>
      %dma_start3A_103 = arith.constant 0 : i32
      %dma_start3A_104 = arith.constant 0 : i32
      %dma_start3A_105 = tpu.memref_slice %arg11[%dma_start3A_103, %dma_start3A_104] : memref<10240x128xf32, #tpu.memory_space<vmem_shared>> -> memref<10240x128xf32, #tpu.memory_space<vmem_shared>>
      tpu.enqueue_indirect_dma source(%arg9 : memref<128x128xf32, #tpu.memory_space<vmem>>) target(%dma_start3A_105 : memref<10240x128xf32, #tpu.memory_space<vmem_shared>>) offsets(%dma_start3A_102 : memref<128xi32, #tpu.memory_space<vmem>>) semaphore(%arg14 : memref<!tpu.dma_semaphore, #tpu.memory_space<semaphore_mem>>) {add = true}
      %dma_wait3A_106 = arith.constant 2 : i32
      %dma_wait3A_107 = arith.constant 0 : i32
      %dma_wait3A_108 = tpu.memref_slice %arg8[%dma_wait3A_106, %dma_wait3A_107] : memref<8x128xi32, #tpu.memory_space<vmem>> -> memref<1x128xi32, #tpu.memory_space<vmem>>
      %dma_wait3A_109 = tpu.memref_squeeze %dma_wait3A_108 : memref<1x128xi32, #tpu.memory_space<vmem>> -> memref<128xi32, #tpu.memory_space<vmem>>
      %dma_wait3A_110 = arith.constant 0 : i32
      %dma_wait3A_111 = arith.constant 0 : i32
      %dma_wait3A_112 = tpu.memref_slice %arg11[%dma_wait3A_110, %dma_wait3A_111] : memref<10240x128xf32, #tpu.memory_space<vmem_shared>> -> memref<10240x128xf32, #tpu.memory_space<vmem_shared>>
      tpu.wait_indirect_dma semaphore(%arg14 : memref<!tpu.dma_semaphore, #tpu.memory_space<semaphore_mem>>) src(%arg9 : memref<128x128xf32, #tpu.memory_space<vmem>>) dst(%dma_wait3A_112 : memref<10240x128xf32, #tpu.memory_space<vmem_shared>>)
      %dma_start3A_113 = arith.constant 4 : i32
      %dma_start3A_114 = arith.constant 0 : i32
      %dma_start3A_115 = tpu.memref_slice %arg7[%dma_start3A_113, %dma_start3A_114] : memref<8x128xi32, #tpu.memory_space<vmem>> -> memref<1x128xi32, #tpu.memory_space<vmem>>
      %dma_start3A_116 = tpu.memref_squeeze %dma_start3A_115 : memref<1x128xi32, #tpu.memory_space<vmem>> -> memref<128xi32, #tpu.memory_space<vmem>>
      %dma_start3A_117 = arith.constant 0 : i32
      %dma_start3A_118 = arith.constant 0 : i32
      %dma_start3A_119 = tpu.memref_slice %arg4[%dma_start3A_117, %dma_start3A_118] : memref<10240x128xf32, #tpu.memory_space<hbm>> -> memref<10240x128xf32, #tpu.memory_space<hbm>>
      tpu.enqueue_indirect_dma source(%dma_start3A_119 : memref<10240x128xf32, #tpu.memory_space<hbm>>) target(%arg9 : memref<128x128xf32, #tpu.memory_space<vmem>>) offsets(%dma_start3A_116 : memref<128xi32, #tpu.memory_space<vmem>>) semaphore(%arg12 : memref<!tpu.dma_semaphore, #tpu.memory_space<semaphore_mem>>)
      %dma_wait3A_120 = arith.constant 3 : i32
      %dma_wait3A_121 = arith.constant 0 : i32
      %dma_wait3A_122 = tpu.memref_slice %arg7[%dma_wait3A_120, %dma_wait3A_121] : memref<8x128xi32, #tpu.memory_space<vmem>> -> memref<1x128xi32, #tpu.memory_space<vmem>>
      %dma_wait3A_123 = tpu.memref_squeeze %dma_wait3A_122 : memref<1x128xi32, #tpu.memory_space<vmem>> -> memref<128xi32, #tpu.memory_space<vmem>>
      %dma_wait3A_124 = arith.constant 0 : i32
      %dma_wait3A_125 = arith.constant 0 : i32
      %dma_wait3A_126 = tpu.memref_slice %arg4[%dma_wait3A_124, %dma_wait3A_125] : memref<10240x128xf32, #tpu.memory_space<hbm>> -> memref<10240x128xf32, #tpu.memory_space<hbm>>
      tpu.wait_indirect_dma semaphore(%arg13 : memref<!tpu.dma_semaphore, #tpu.memory_space<semaphore_mem>>) src(%dma_wait3A_126 : memref<10240x128xf32, #tpu.memory_space<hbm>>) dst(%arg10 : memref<128x128xf32, #tpu.memory_space<vmem>>)
      %dma_start3A_127 = arith.constant 3 : i32
      %dma_start3A_128 = arith.constant 0 : i32
      %dma_start3A_129 = tpu.memref_slice %arg8[%dma_start3A_127, %dma_start3A_128] : memref<8x128xi32, #tpu.memory_space<vmem>> -> memref<1x128xi32, #tpu.memory_space<vmem>>
      %dma_start3A_130 = tpu.memref_squeeze %dma_start3A_129 : memref<1x128xi32, #tpu.memory_space<vmem>> -> memref<128xi32, #tpu.memory_space<vmem>>
      %dma_start3A_131 = arith.constant 0 : i32
      %dma_start3A_132 = arith.constant 0 : i32
      %dma_start3A_133 = tpu.memref_slice %arg11[%dma_start3A_131, %dma_start3A_132] : memref<10240x128xf32, #tpu.memory_space<vmem_shared>> -> memref<10240x128xf32, #tpu.memory_space<vmem_shared>>
      tpu.enqueue_indirect_dma source(%arg10 : memref<128x128xf32, #tpu.memory_space<vmem>>) target(%dma_start3A_133 : memref<10240x128xf32, #tpu.memory_space<vmem_shared>>) offsets(%dma_start3A_130 : memref<128xi32, #tpu.memory_space<vmem>>) semaphore(%arg15 : memref<!tpu.dma_semaphore, #tpu.memory_space<semaphore_mem>>) {add = true}
      %dma_wait3A_134 = arith.constant 3 : i32
      %dma_wait3A_135 = arith.constant 0 : i32
      %dma_wait3A_136 = tpu.memref_slice %arg8[%dma_wait3A_134, %dma_wait3A_135] : memref<8x128xi32, #tpu.memory_space<vmem>> -> memref<1x128xi32, #tpu.memory_space<vmem>>
      %dma_wait3A_137 = tpu.memref_squeeze %dma_wait3A_136 : memref<1x128xi32, #tpu.memory_space<vmem>> -> memref<128xi32, #tpu.memory_space<vmem>>
      %dma_wait3A_138 = arith.constant 0 : i32
      %dma_wait3A_139 = arith.constant 0 : i32
      %dma_wait3A_140 = tpu.memref_slice %arg11[%dma_wait3A_138, %dma_wait3A_139] : memref<10240x128xf32, #tpu.memory_space<vmem_shared>> -> memref<10240x128xf32, #tpu.memory_space<vmem_shared>>
      tpu.wait_indirect_dma semaphore(%arg15 : memref<!tpu.dma_semaphore, #tpu.memory_space<semaphore_mem>>) src(%arg10 : memref<128x128xf32, #tpu.memory_space<vmem>>) dst(%dma_wait3A_140 : memref<10240x128xf32, #tpu.memory_space<vmem_shared>>)
      %dma_start3A_141 = arith.constant 5 : i32
      %dma_start3A_142 = arith.constant 0 : i32
      %dma_start3A_143 = tpu.memref_slice %arg7[%dma_start3A_141, %dma_start3A_142] : memref<8x128xi32, #tpu.memory_space<vmem>> -> memref<1x128xi32, #tpu.memory_space<vmem>>
      %dma_start3A_144 = tpu.memref_squeeze %dma_start3A_143 : memref<1x128xi32, #tpu.memory_space<vmem>> -> memref<128xi32, #tpu.memory_space<vmem>>
      %dma_start3A_145 = arith.constant 0 : i32
      %dma_start3A_146 = arith.constant 0 : i32
      %dma_start3A_147 = tpu.memref_slice %arg4[%dma_start3A_145, %dma_start3A_146] : memref<10240x128xf32, #tpu.memory_space<hbm>> -> memref<10240x128xf32, #tpu.memory_space<hbm>>
      tpu.enqueue_indirect_dma source(%dma_start3A_147 : memref<10240x128xf32, #tpu.memory_space<hbm>>) target(%arg10 : memref<128x128xf32, #tpu.memory_space<vmem>>) offsets(%dma_start3A_144 : memref<128xi32, #tpu.memory_space<vmem>>) semaphore(%arg13 : memref<!tpu.dma_semaphore, #tpu.memory_space<semaphore_mem>>)
      %dma_wait3A_148 = arith.constant 4 : i32
      %dma_wait3A_149 = arith.constant 0 : i32
      %dma_wait3A_150 = tpu.memref_slice %arg7[%dma_wait3A_148, %dma_wait3A_149] : memref<8x128xi32, #tpu.memory_space<vmem>> -> memref<1x128xi32, #tpu.memory_space<vmem>>
      %dma_wait3A_151 = tpu.memref_squeeze %dma_wait3A_150 : memref<1x128xi32, #tpu.memory_space<vmem>> -> memref<128xi32, #tpu.memory_space<vmem>>
      %dma_wait3A_152 = arith.constant 0 : i32
      %dma_wait3A_153 = arith.constant 0 : i32
      %dma_wait3A_154 = tpu.memref_slice %arg4[%dma_wait3A_152, %dma_wait3A_153] : memref<10240x128xf32, #tpu.memory_space<hbm>> -> memref<10240x128xf32, #tpu.memory_space<hbm>>
      tpu.wait_indirect_dma semaphore(%arg12 : memref<!tpu.dma_semaphore, #tpu.memory_space<semaphore_mem>>) src(%dma_wait3A_154 : memref<10240x128xf32, #tpu.memory_space<hbm>>) dst(%arg9 : memref<128x128xf32, #tpu.memory_space<vmem>>)
      %dma_start3A_155 = arith.constant 4 : i32
      %dma_start3A_156 = arith.constant 0 : i32
      %dma_start3A_157 = tpu.memref_slice %arg8[%dma_start3A_155, %dma_start3A_156] : memref<8x128xi32, #tpu.memory_space<vmem>> -> memref<1x128xi32, #tpu.memory_space<vmem>>
      %dma_start3A_158 = tpu.memref_squeeze %dma_start3A_157 : memref<1x128xi32, #tpu.memory_space<vmem>> -> memref<128xi32, #tpu.memory_space<vmem>>
      %dma_start3A_159 = arith.constant 0 : i32
      %dma_start3A_160 = arith.constant 0 : i32
      %dma_start3A_161 = tpu.memref_slice %arg11[%dma_start3A_159, %dma_start3A_160] : memref<10240x128xf32, #tpu.memory_space<vmem_shared>> -> memref<10240x128xf32, #tpu.memory_space<vmem_shared>>
      tpu.enqueue_indirect_dma source(%arg9 : memref<128x128xf32, #tpu.memory_space<vmem>>) target(%dma_start3A_161 : memref<10240x128xf32, #tpu.memory_space<vmem_shared>>) offsets(%dma_start3A_158 : memref<128xi32, #tpu.memory_space<vmem>>) semaphore(%arg14 : memref<!tpu.dma_semaphore, #tpu.memory_space<semaphore_mem>>) {add = true}
      %dma_wait3A_162 = arith.constant 4 : i32
      %dma_wait3A_163 = arith.constant 0 : i32
      %dma_wait3A_164 = tpu.memref_slice %arg8[%dma_wait3A_162, %dma_wait3A_163] : memref<8x128xi32, #tpu.memory_space<vmem>> -> memref<1x128xi32, #tpu.memory_space<vmem>>
      %dma_wait3A_165 = tpu.memref_squeeze %dma_wait3A_164 : memref<1x128xi32, #tpu.memory_space<vmem>> -> memref<128xi32, #tpu.memory_space<vmem>>
      %dma_wait3A_166 = arith.constant 0 : i32
      %dma_wait3A_167 = arith.constant 0 : i32
      %dma_wait3A_168 = tpu.memref_slice %arg11[%dma_wait3A_166, %dma_wait3A_167] : memref<10240x128xf32, #tpu.memory_space<vmem_shared>> -> memref<10240x128xf32, #tpu.memory_space<vmem_shared>>
      tpu.wait_indirect_dma semaphore(%arg14 : memref<!tpu.dma_semaphore, #tpu.memory_space<semaphore_mem>>) src(%arg9 : memref<128x128xf32, #tpu.memory_space<vmem>>) dst(%dma_wait3A_168 : memref<10240x128xf32, #tpu.memory_space<vmem_shared>>)
      %dma_start3A_169 = arith.constant 6 : i32
      %dma_start3A_170 = arith.constant 0 : i32
      %dma_start3A_171 = tpu.memref_slice %arg7[%dma_start3A_169, %dma_start3A_170] : memref<8x128xi32, #tpu.memory_space<vmem>> -> memref<1x128xi32, #tpu.memory_space<vmem>>
      %dma_start3A_172 = tpu.memref_squeeze %dma_start3A_171 : memref<1x128xi32, #tpu.memory_space<vmem>> -> memref<128xi32, #tpu.memory_space<vmem>>
      %dma_start3A_173 = arith.constant 0 : i32
      %dma_start3A_174 = arith.constant 0 : i32
      %dma_start3A_175 = tpu.memref_slice %arg4[%dma_start3A_173, %dma_start3A_174] : memref<10240x128xf32, #tpu.memory_space<hbm>> -> memref<10240x128xf32, #tpu.memory_space<hbm>>
      tpu.enqueue_indirect_dma source(%dma_start3A_175 : memref<10240x128xf32, #tpu.memory_space<hbm>>) target(%arg9 : memref<128x128xf32, #tpu.memory_space<vmem>>) offsets(%dma_start3A_172 : memref<128xi32, #tpu.memory_space<vmem>>) semaphore(%arg12 : memref<!tpu.dma_semaphore, #tpu.memory_space<semaphore_mem>>)
      %dma_wait3A_176 = arith.constant 5 : i32
      %dma_wait3A_177 = arith.constant 0 : i32
      %dma_wait3A_178 = tpu.memref_slice %arg7[%dma_wait3A_176, %dma_wait3A_177] : memref<8x128xi32, #tpu.memory_space<vmem>> -> memref<1x128xi32, #tpu.memory_space<vmem>>
      %dma_wait3A_179 = tpu.memref_squeeze %dma_wait3A_178 : memref<1x128xi32, #tpu.memory_space<vmem>> -> memref<128xi32, #tpu.memory_space<vmem>>
      %dma_wait3A_180 = arith.constant 0 : i32
      %dma_wait3A_181 = arith.constant 0 : i32
      %dma_wait3A_182 = tpu.memref_slice %arg4[%dma_wait3A_180, %dma_wait3A_181] : memref<10240x128xf32, #tpu.memory_space<hbm>> -> memref<10240x128xf32, #tpu.memory_space<hbm>>
      tpu.wait_indirect_dma semaphore(%arg13 : memref<!tpu.dma_semaphore, #tpu.memory_space<semaphore_mem>>) src(%dma_wait3A_182 : memref<10240x128xf32, #tpu.memory_space<hbm>>) dst(%arg10 : memref<128x128xf32, #tpu.memory_space<vmem>>)
      %dma_start3A_183 = arith.constant 5 : i32
      %dma_start3A_184 = arith.constant 0 : i32
      %dma_start3A_185 = tpu.memref_slice %arg8[%dma_start3A_183, %dma_start3A_184] : memref<8x128xi32, #tpu.memory_space<vmem>> -> memref<1x128xi32, #tpu.memory_space<vmem>>
      %dma_start3A_186 = tpu.memref_squeeze %dma_start3A_185 : memref<1x128xi32, #tpu.memory_space<vmem>> -> memref<128xi32, #tpu.memory_space<vmem>>
      %dma_start3A_187 = arith.constant 0 : i32
      %dma_start3A_188 = arith.constant 0 : i32
      %dma_start3A_189 = tpu.memref_slice %arg11[%dma_start3A_187, %dma_start3A_188] : memref<10240x128xf32, #tpu.memory_space<vmem_shared>> -> memref<10240x128xf32, #tpu.memory_space<vmem_shared>>
      tpu.enqueue_indirect_dma source(%arg10 : memref<128x128xf32, #tpu.memory_space<vmem>>) target(%dma_start3A_189 : memref<10240x128xf32, #tpu.memory_space<vmem_shared>>) offsets(%dma_start3A_186 : memref<128xi32, #tpu.memory_space<vmem>>) semaphore(%arg15 : memref<!tpu.dma_semaphore, #tpu.memory_space<semaphore_mem>>) {add = true}
      %dma_wait3A_190 = arith.constant 5 : i32
      %dma_wait3A_191 = arith.constant 0 : i32
      %dma_wait3A_192 = tpu.memref_slice %arg8[%dma_wait3A_190, %dma_wait3A_191] : memref<8x128xi32, #tpu.memory_space<vmem>> -> memref<1x128xi32, #tpu.memory_space<vmem>>
      %dma_wait3A_193 = tpu.memref_squeeze %dma_wait3A_192 : memref<1x128xi32, #tpu.memory_space<vmem>> -> memref<128xi32, #tpu.memory_space<vmem>>
      %dma_wait3A_194 = arith.constant 0 : i32
      %dma_wait3A_195 = arith.constant 0 : i32
      %dma_wait3A_196 = tpu.memref_slice %arg11[%dma_wait3A_194, %dma_wait3A_195] : memref<10240x128xf32, #tpu.memory_space<vmem_shared>> -> memref<10240x128xf32, #tpu.memory_space<vmem_shared>>
      tpu.wait_indirect_dma semaphore(%arg15 : memref<!tpu.dma_semaphore, #tpu.memory_space<semaphore_mem>>) src(%arg10 : memref<128x128xf32, #tpu.memory_space<vmem>>) dst(%dma_wait3A_196 : memref<10240x128xf32, #tpu.memory_space<vmem_shared>>)
      %dma_start3A_197 = arith.constant 7 : i32
      %dma_start3A_198 = arith.constant 0 : i32
      %dma_start3A_199 = tpu.memref_slice %arg7[%dma_start3A_197, %dma_start3A_198] : memref<8x128xi32, #tpu.memory_space<vmem>> -> memref<1x128xi32, #tpu.memory_space<vmem>>
      %dma_start3A_200 = tpu.memref_squeeze %dma_start3A_199 : memref<1x128xi32, #tpu.memory_space<vmem>> -> memref<128xi32, #tpu.memory_space<vmem>>
      %dma_start3A_201 = arith.constant 0 : i32
      %dma_start3A_202 = arith.constant 0 : i32
      %dma_start3A_203 = tpu.memref_slice %arg4[%dma_start3A_201, %dma_start3A_202] : memref<10240x128xf32, #tpu.memory_space<hbm>> -> memref<10240x128xf32, #tpu.memory_space<hbm>>
      tpu.enqueue_indirect_dma source(%dma_start3A_203 : memref<10240x128xf32, #tpu.memory_space<hbm>>) target(%arg10 : memref<128x128xf32, #tpu.memory_space<vmem>>) offsets(%dma_start3A_200 : memref<128xi32, #tpu.memory_space<vmem>>) semaphore(%arg13 : memref<!tpu.dma_semaphore, #tpu.memory_space<semaphore_mem>>)
      %dma_wait3A_204 = arith.constant 6 : i32
      %dma_wait3A_205 = arith.constant 0 : i32
      %dma_wait3A_206 = tpu.memref_slice %arg7[%dma_wait3A_204, %dma_wait3A_205] : memref<8x128xi32, #tpu.memory_space<vmem>> -> memref<1x128xi32, #tpu.memory_space<vmem>>
      %dma_wait3A_207 = tpu.memref_squeeze %dma_wait3A_206 : memref<1x128xi32, #tpu.memory_space<vmem>> -> memref<128xi32, #tpu.memory_space<vmem>>
      %dma_wait3A_208 = arith.constant 0 : i32
      %dma_wait3A_209 = arith.constant 0 : i32
      %dma_wait3A_210 = tpu.memref_slice %arg4[%dma_wait3A_208, %dma_wait3A_209] : memref<10240x128xf32, #tpu.memory_space<hbm>> -> memref<10240x128xf32, #tpu.memory_space<hbm>>
      tpu.wait_indirect_dma semaphore(%arg12 : memref<!tpu.dma_semaphore, #tpu.memory_space<semaphore_mem>>) src(%dma_wait3A_210 : memref<10240x128xf32, #tpu.memory_space<hbm>>) dst(%arg9 : memref<128x128xf32, #tpu.memory_space<vmem>>)
      %dma_start3A_211 = arith.constant 6 : i32
      %dma_start3A_212 = arith.constant 0 : i32
      %dma_start3A_213 = tpu.memref_slice %arg8[%dma_start3A_211, %dma_start3A_212] : memref<8x128xi32, #tpu.memory_space<vmem>> -> memref<1x128xi32, #tpu.memory_space<vmem>>
      %dma_start3A_214 = tpu.memref_squeeze %dma_start3A_213 : memref<1x128xi32, #tpu.memory_space<vmem>> -> memref<128xi32, #tpu.memory_space<vmem>>
      %dma_start3A_215 = arith.constant 0 : i32
      %dma_start3A_216 = arith.constant 0 : i32
      %dma_start3A_217 = tpu.memref_slice %arg11[%dma_start3A_215, %dma_start3A_216] : memref<10240x128xf32, #tpu.memory_space<vmem_shared>> -> memref<10240x128xf32, #tpu.memory_space<vmem_shared>>
      tpu.enqueue_indirect_dma source(%arg9 : memref<128x128xf32, #tpu.memory_space<vmem>>) target(%dma_start3A_217 : memref<10240x128xf32, #tpu.memory_space<vmem_shared>>) offsets(%dma_start3A_214 : memref<128xi32, #tpu.memory_space<vmem>>) semaphore(%arg14 : memref<!tpu.dma_semaphore, #tpu.memory_space<semaphore_mem>>) {add = true}
      %dma_wait3A_218 = arith.constant 7 : i32
      %dma_wait3A_219 = arith.constant 0 : i32
      %dma_wait3A_220 = tpu.memref_slice %arg7[%dma_wait3A_218, %dma_wait3A_219] : memref<8x128xi32, #tpu.memory_space<vmem>> -> memref<1x128xi32, #tpu.memory_space<vmem>>
      %dma_wait3A_221 = tpu.memref_squeeze %dma_wait3A_220 : memref<1x128xi32, #tpu.memory_space<vmem>> -> memref<128xi32, #tpu.memory_space<vmem>>
      %dma_wait3A_222 = arith.constant 0 : i32
      %dma_wait3A_223 = arith.constant 0 : i32
      %dma_wait3A_224 = tpu.memref_slice %arg4[%dma_wait3A_222, %dma_wait3A_223] : memref<10240x128xf32, #tpu.memory_space<hbm>> -> memref<10240x128xf32, #tpu.memory_space<hbm>>
      tpu.wait_indirect_dma semaphore(%arg13 : memref<!tpu.dma_semaphore, #tpu.memory_space<semaphore_mem>>) src(%dma_wait3A_224 : memref<10240x128xf32, #tpu.memory_space<hbm>>) dst(%arg10 : memref<128x128xf32, #tpu.memory_space<vmem>>)
      %dma_start3A_225 = arith.constant 7 : i32
      %dma_start3A_226 = arith.constant 0 : i32
      %dma_start3A_227 = tpu.memref_slice %arg8[%dma_start3A_225, %dma_start3A_226] : memref<8x128xi32, #tpu.memory_space<vmem>> -> memref<1x128xi32, #tpu.memory_space<vmem>>
      %dma_start3A_228 = tpu.memref_squeeze %dma_start3A_227 : memref<1x128xi32, #tpu.memory_space<vmem>> -> memref<128xi32, #tpu.memory_space<vmem>>
      %dma_start3A_229 = arith.constant 0 : i32
      %dma_start3A_230 = arith.constant 0 : i32
      %dma_start3A_231 = tpu.memref_slice %arg11[%dma_start3A_229, %dma_start3A_230] : memref<10240x128xf32, #tpu.memory_space<vmem_shared>> -> memref<10240x128xf32, #tpu.memory_space<vmem_shared>>
      tpu.enqueue_indirect_dma source(%arg10 : memref<128x128xf32, #tpu.memory_space<vmem>>) target(%dma_start3A_231 : memref<10240x128xf32, #tpu.memory_space<vmem_shared>>) offsets(%dma_start3A_228 : memref<128xi32, #tpu.memory_space<vmem>>) semaphore(%arg15 : memref<!tpu.dma_semaphore, #tpu.memory_space<semaphore_mem>>) {add = true}
      %dma_wait3A_232 = arith.constant 6 : i32
      %dma_wait3A_233 = arith.constant 0 : i32
      %dma_wait3A_234 = tpu.memref_slice %arg8[%dma_wait3A_232, %dma_wait3A_233] : memref<8x128xi32, #tpu.memory_space<vmem>> -> memref<1x128xi32, #tpu.memory_space<vmem>>
      %dma_wait3A_235 = tpu.memref_squeeze %dma_wait3A_234 : memref<1x128xi32, #tpu.memory_space<vmem>> -> memref<128xi32, #tpu.memory_space<vmem>>
      %dma_wait3A_236 = arith.constant 0 : i32
      %dma_wait3A_237 = arith.constant 0 : i32
      %dma_wait3A_238 = tpu.memref_slice %arg11[%dma_wait3A_236, %dma_wait3A_237] : memref<10240x128xf32, #tpu.memory_space<vmem_shared>> -> memref<10240x128xf32, #tpu.memory_space<vmem_shared>>
      tpu.wait_indirect_dma semaphore(%arg14 : memref<!tpu.dma_semaphore, #tpu.memory_space<semaphore_mem>>) src(%arg9 : memref<128x128xf32, #tpu.memory_space<vmem>>) dst(%dma_wait3A_238 : memref<10240x128xf32, #tpu.memory_space<vmem_shared>>)
      %dma_wait3A_239 = arith.constant 7 : i32
      %dma_wait3A_240 = arith.constant 0 : i32
      %dma_wait3A_241 = tpu.memref_slice %arg8[%dma_wait3A_239, %dma_wait3A_240] : memref<8x128xi32, #tpu.memory_space<vmem>> -> memref<1x128xi32, #tpu.memory_space<vmem>>
      %dma_wait3A_242 = tpu.memref_squeeze %dma_wait3A_241 : memref<1x128xi32, #tpu.memory_space<vmem>> -> memref<128xi32, #tpu.memory_space<vmem>>
      %dma_wait3A_243 = arith.constant 0 : i32
      %dma_wait3A_244 = arith.constant 0 : i32
      %dma_wait3A_245 = tpu.memref_slice %arg11[%dma_wait3A_243, %dma_wait3A_244] : memref<10240x128xf32, #tpu.memory_space<vmem_shared>> -> memref<10240x128xf32, #tpu.memory_space<vmem_shared>>
      tpu.wait_indirect_dma semaphore(%arg15 : memref<!tpu.dma_semaphore, #tpu.memory_space<semaphore_mem>>) src(%arg10 : memref<128x128xf32, #tpu.memory_space<vmem>>) dst(%dma_wait3A_245 : memref<10240x128xf32, #tpu.memory_space<vmem_shared>>)
    }
    %scan3A_9 = arith.constant 10 : i32
    %barrier3A_10 = arith.constant 0 : index
    tpu.barrier barrier_id(%barrier3A_10)
    %mul3A_11 = arith.constant 640 : i32
    %mul3A_12 = arith.muli %arg1, %mul3A_11 : i32
    %mul3A_13 = arith.constant 10240 : i32
    %mul3A_14 = arith.muli %arg0, %mul3A_13 : i32
    %mul3A_15 = arith.constant 640 : i32
    %mul3A_16 = arith.muli %arg1, %mul3A_15 : i32
    %add3A_17 = arith.addi %mul3A_14, %mul3A_16 : i32
    "tpu.region"() ({
      %run_scoped3A = tpu.sem_alloc : memref<!tpu.dma_semaphore, #tpu.memory_space<semaphore_mem>>
      %dma_start3A = arith.constant 0 : i32
      %dma_start3A_18 = tpu.memref_slice %arg6[%add3A_17, %dma_start3A] : memref<20480x128xf32, #tpu.memory_space<hbm>> -> memref<640x128xf32, #tpu.memory_space<hbm>>
      %dma_start3A_19 = arith.constant 0 : i32
      %dma_start3A_20 = tpu.memref_slice %arg11[%mul3A_12, %dma_start3A_19] : memref<10240x128xf32, #tpu.memory_space<vmem_shared>> -> memref<640x128xf32, #tpu.memory_space<vmem_shared>>
      tpu.enqueue_dma source(%dma_start3A_20 : memref<640x128xf32, #tpu.memory_space<vmem_shared>>) target(%dma_start3A_18 : memref<640x128xf32, #tpu.memory_space<hbm>>) target_semaphore(%run_scoped3A : memref<!tpu.dma_semaphore, #tpu.memory_space<semaphore_mem>>)
      %dma_wait3A = arith.constant 0 : i32
      %dma_wait3A_21 = tpu.memref_slice %arg6[%add3A_17, %dma_wait3A] : memref<20480x128xf32, #tpu.memory_space<hbm>> -> memref<640x128xf32, #tpu.memory_space<hbm>>
      %dma_wait3A_22 = arith.constant 0 : i32
      %dma_wait3A_23 = tpu.memref_slice %arg11[%mul3A_12, %dma_wait3A_22] : memref<10240x128xf32, #tpu.memory_space<vmem_shared>> -> memref<640x128xf32, #tpu.memory_space<vmem_shared>>
      tpu.wait_dma2 semaphore(%run_scoped3A : memref<!tpu.dma_semaphore, #tpu.memory_space<semaphore_mem>>) src(%dma_wait3A_23 : memref<640x128xf32, #tpu.memory_space<vmem_shared>>) dst(%dma_wait3A_21 : memref<640x128xf32, #tpu.memory_space<hbm>>)
      tpu.yield
    }) : () -> ()
    return
  }
}

module attributes {stable_mosaic.version = 14 : i64} {
  func.func @_tc1_body(%arg0: i32, %arg1: memref<640x128xf32, #tpu.memory_space<vmem>>, %arg2: memref<128x128xf32, #tpu.memory_space<vmem>>, %arg3: memref<1x128xf32, #tpu.memory_space<vmem>>, %arg4: memref<640x128xf32, #tpu.memory_space<vmem>>, %arg5: memref<640x128xf32, #tpu.memory_space<vmem>>, %arg6: memref<640x128xf32, #tpu.memory_space<vmem>>, %arg7: memref<640x8xf32, #tpu.memory_space<vmem>>) attributes {dimension_semantics = [#tpu.dimension_semantics<arbitrary>], iteration_bounds = array<i64: 16>, scalar_prefetch = 0 : i64, scratch_operands = 0 : i64, tpu.core_type = #tpu.core_type<tc>, window_params = [{transform_indices = @transform_0, window_bounds = array<i64: 640, 128>}, {pipeline_mode = #tpu.pipeline_mode<synchronous>, transform_indices = @transform_1, window_bounds = array<i64: 128, 128>}, {pipeline_mode = #tpu.pipeline_mode<synchronous>, transform_indices = @transform_2, window_bounds = array<i64: 1, 128>}, {transform_indices = @transform_3, window_bounds = array<i64: 640, 128>}, {transform_indices = @transform_4, window_bounds = array<i64: 640, 128>}, {transform_indices = @transform_5, window_bounds = array<i64: 640, 128>}, {transform_indices = @transform_6, window_bounds = array<i64: 640, 8>}]} {
    %get3A = arith.constant 0 : index
    %get3A_0 = arith.constant 0 : index
    %get3A_1 = vector.load %arg4[%get3A, %get3A_0] : memref<640x128xf32, #tpu.memory_space<vmem>>, vector<640x128xf32>
    %get3A_2 = arith.constant 0 : index
    %get3A_3 = arith.constant 0 : index
    %get3A_4 = vector.load %arg5[%get3A_2, %get3A_3] : memref<640x128xf32, #tpu.memory_space<vmem>>, vector<640x128xf32>
    %slice3A = vector.extract_strided_slice %get3A_1 {offsets = [0, 0], sizes = [640, 1], strides = [1, 1]} : vector<640x128xf32> to vector<640x1xf32>
    %slice3A_5 = vector.extract_strided_slice %get3A_4 {offsets = [0, 0], sizes = [640, 1], strides = [1, 1]} : vector<640x128xf32> to vector<640x1xf32>
    %add3A = arith.addf %slice3A, %slice3A_5 : vector<640x1xf32>
    %add3A_6 = arith.constant 1.000000e+00 : f32
    %add3A_7 = vector.broadcast %add3A_6 : f32 to vector<640x1xf32>
    %add3A_8 = arith.addf %add3A, %add3A_7 : vector<640x1xf32>
    %rsqrt3A = math.rsqrt %add3A_8 : vector<640x1xf32>
    %get3A_9 = arith.constant 0 : index
    %get3A_10 = arith.constant 0 : index
    %get3A_11 = vector.load %arg1[%get3A_9, %get3A_10] : memref<640x128xf32, #tpu.memory_space<vmem>>, vector<640x128xf32>
    %get3A_12 = arith.constant 0 : index
    %get3A_13 = arith.constant 0 : index
    %get3A_14 = vector.load %arg2[%get3A_12, %get3A_13] : memref<128x128xf32, #tpu.memory_space<vmem>>, vector<128x128xf32>
    %dot_general3A = arith.constant dense<0.000000e+00> : vector<640x128xf32>
    %dot_general3A_15 = tpu.matmul %get3A_11, %get3A_14, %dot_general3A {dimension_numbers = #tpu.dot_dimension_numbers<[1], [1], [0], [0], [0, 0, 1, 0], [], []>, transpose_lhs_hint = false} : vector<640x128xf32>, vector<128x128xf32>, vector<640x128xf32> -> vector<640x128xf32>
    %get3A_16 = arith.constant 0 : index
    %get3A_17 = arith.constant 0 : index
    %get3A_18 = vector.load %arg3[%get3A_16, %get3A_17] : memref<1x128xf32, #tpu.memory_space<vmem>>, vector<1x128xf32>
    %add3A_19 = vector.broadcast %get3A_18 : vector<1x128xf32> to vector<640x128xf32>
    %add3A_20 = arith.addf %dot_general3A_15, %add3A_19 : vector<640x128xf32>
    %mul3A = vector.broadcast %rsqrt3A : vector<640x1xf32> to vector<640x128xf32>
    %mul3A_21 = arith.mulf %mul3A, %add3A_20 : vector<640x128xf32>
    %swap3A = arith.constant 0 : index
    %swap3A_22 = arith.constant 0 : index
    %swap3A_23 = vector.load %arg6[%swap3A, %swap3A_22] : memref<640x128xf32, #tpu.memory_space<vmem>>, vector<640x128xf32>
    tpu.vector_store %arg6[%swap3A, %swap3A_22], %mul3A_21 {strides = array<i32>} : memref<640x128xf32, #tpu.memory_space<vmem>>, vector<640x128xf32>,
    %broadcast_in_dim3A = vector.shape_cast %rsqrt3A : vector<640x1xf32> to vector<640x1xf32>
    %broadcast_in_dim3A_24 = vector.broadcast %broadcast_in_dim3A : vector<640x1xf32> to vector<640x8xf32>
    %swap3A_25 = arith.constant 0 : index
    %swap3A_26 = arith.constant 0 : index
    %swap3A_27 = vector.load %arg7[%swap3A_25, %swap3A_26] : memref<640x8xf32, #tpu.memory_space<vmem>>, vector<640x8xf32>
    tpu.vector_store %arg7[%swap3A_25, %swap3A_26], %broadcast_in_dim3A_24 {strides = array<i32>} : memref<640x8xf32, #tpu.memory_space<vmem>>, vector<640x8xf32>,
    return
  }
  func.func @transform_0(%arg0: i32) -> (i32, i32) {
    %c0_i32 = arith.constant 0 : i32
    %c0_i32_0 = arith.constant 0 : i32
    return %arg0, %c0_i32 : i32, i32
  }
  func.func @transform_1(%arg0: i32) -> (i32, i32) {
    %c0_i32 = arith.constant 0 : i32
    %c0_i32_0 = arith.constant 0 : i32
    %c0_i32_1 = arith.constant 0 : i32
    return %c0_i32, %c0_i32_0 : i32, i32
  }
  func.func @transform_2(%arg0: i32) -> (i32, i32) {
    %c0_i32 = arith.constant 0 : i32
    %c0_i32_0 = arith.constant 0 : i32
    %c0_i32_1 = arith.constant 0 : i32
    return %c0_i32, %c0_i32_0 : i32, i32
  }
  func.func @transform_3(%arg0: i32) -> (i32, i32) {
    %c0_i32 = arith.constant 0 : i32
    %c0_i32_0 = arith.constant 0 : i32
    return %arg0, %c0_i32 : i32, i32
  }
  func.func @transform_4(%arg0: i32) -> (i32, i32) {
    %add3A = arith.constant 16 : i32
    %add3A_0 = arith.addi %arg0, %add3A : i32
    %c0_i32 = arith.constant 0 : i32
    %c0_i32_1 = arith.constant 0 : i32
    return %add3A_0, %c0_i32 : i32, i32
  }
  func.func @transform_5(%arg0: i32) -> (i32, i32) {
    %c0_i32 = arith.constant 0 : i32
    %c0_i32_0 = arith.constant 0 : i32
    return %arg0, %c0_i32 : i32, i32
  }
  func.func @transform_6(%arg0: i32) -> (i32, i32) {
    %c0_i32 = arith.constant 0 : i32
    %c0_i32_0 = arith.constant 0 : i32
    return %arg0, %c0_i32 : i32, i32
  }
}

module attributes {stable_mosaic.version = 14 : i64} {
  func.func @_tc2_body(%arg0: i32, %arg1: memref<640x128xf32, #tpu.memory_space<vmem>>, %arg2: memref<640x128xf32, #tpu.memory_space<vmem>>, %arg3: memref<640x128xf32, #tpu.memory_space<vmem>>, %arg4: memref<640x8xf32, #tpu.memory_space<vmem>>, %arg5: memref<128x128xf32, #tpu.memory_space<vmem>>, %arg6: memref<1x128xf32, #tpu.memory_space<vmem>>, %arg7: memref<640x128xf32, #tpu.memory_space<vmem>>) attributes {dimension_semantics = [#tpu.dimension_semantics<arbitrary>], iteration_bounds = array<i64: 16>, scalar_prefetch = 0 : i64, scratch_operands = 0 : i64, tpu.core_type = #tpu.core_type<tc>, window_params = [{transform_indices = @transform_0, window_bounds = array<i64: 640, 128>}, {transform_indices = @transform_1, window_bounds = array<i64: 640, 128>}, {transform_indices = @transform_2, window_bounds = array<i64: 640, 128>}, {transform_indices = @transform_3, window_bounds = array<i64: 640, 8>}, {pipeline_mode = #tpu.pipeline_mode<synchronous>, transform_indices = @transform_4, window_bounds = array<i64: 128, 128>}, {pipeline_mode = #tpu.pipeline_mode<synchronous>, transform_indices = @transform_5, window_bounds = array<i64: 1, 128>}, {transform_indices = @transform_6, window_bounds = array<i64: 640, 128>}]} {
    %get3A = arith.constant 0 : index
    %get3A_0 = arith.constant 0 : index
    %get3A_1 = vector.load %arg4[%get3A, %get3A_0] : memref<640x8xf32, #tpu.memory_space<vmem>>, vector<640x1xf32>
    %get3A_2 = arith.constant 0 : index
    %get3A_3 = arith.constant 0 : index
    %get3A_4 = vector.load %arg1[%get3A_2, %get3A_3] : memref<640x128xf32, #tpu.memory_space<vmem>>, vector<640x128xf32>
    %get3A_5 = arith.constant 0 : index
    %get3A_6 = arith.constant 0 : index
    %get3A_7 = vector.load %arg2[%get3A_5, %get3A_6] : memref<640x128xf32, #tpu.memory_space<vmem>>, vector<640x128xf32>
    %add3A = arith.addf %get3A_4, %get3A_7 : vector<640x128xf32>
    %get3A_8 = arith.constant 0 : index
    %get3A_9 = arith.constant 0 : index
    %get3A_10 = vector.load %arg3[%get3A_8, %get3A_9] : memref<640x128xf32, #tpu.memory_space<vmem>>, vector<640x128xf32>
    %add3A_11 = arith.addf %add3A, %get3A_10 : vector<640x128xf32>
    %mul3A = vector.broadcast %get3A_1 : vector<640x1xf32> to vector<640x128xf32>
    %mul3A_12 = arith.mulf %mul3A, %add3A_11 : vector<640x128xf32>
    %max3A = arith.constant 0.000000e+00 : f32
    %max3A_13 = vector.broadcast %max3A : f32 to vector<640x128xf32>
    %max3A_14 = arith.maximumf %mul3A_12, %max3A_13 : vector<640x128xf32>
    %get3A_15 = arith.constant 0 : index
    %get3A_16 = arith.constant 0 : index
    %get3A_17 = vector.load %arg5[%get3A_15, %get3A_16] : memref<128x128xf32, #tpu.memory_space<vmem>>, vector<128x128xf32>
    %dot_general3A = arith.constant dense<0.000000e+00> : vector<640x128xf32>
    %dot_general3A_18 = tpu.matmul %max3A_14, %get3A_17, %dot_general3A {dimension_numbers = #tpu.dot_dimension_numbers<[1], [1], [0], [0], [0, 0, 1, 0], [], []>, transpose_lhs_hint = false} : vector<640x128xf32>, vector<128x128xf32>, vector<640x128xf32> -> vector<640x128xf32>
    %get3A_19 = arith.constant 0 : index
    %get3A_20 = arith.constant 0 : index
    %get3A_21 = vector.load %arg6[%get3A_19, %get3A_20] : memref<1x128xf32, #tpu.memory_space<vmem>>, vector<1x128xf32>
    %add3A_22 = vector.broadcast %get3A_21 : vector<1x128xf32> to vector<640x128xf32>
    %add3A_23 = arith.addf %dot_general3A_18, %add3A_22 : vector<640x128xf32>
    %mul3A_24 = vector.broadcast %get3A_1 : vector<640x1xf32> to vector<640x128xf32>
    %mul3A_25 = arith.mulf %mul3A_24, %add3A_23 : vector<640x128xf32>
    %swap3A = arith.constant 0 : index
    %swap3A_26 = arith.constant 0 : index
    %swap3A_27 = vector.load %arg7[%swap3A, %swap3A_26] : memref<640x128xf32, #tpu.memory_space<vmem>>, vector<640x128xf32>
    tpu.vector_store %arg7[%swap3A, %swap3A_26], %mul3A_25 {strides = array<i32>} : memref<640x128xf32, #tpu.memory_space<vmem>>, vector<640x128xf32>,
    return
  }
  func.func @transform_0(%arg0: i32) -> (i32, i32) {
    %c0_i32 = arith.constant 0 : i32
    %c0_i32_0 = arith.constant 0 : i32
    return %arg0, %c0_i32 : i32, i32
  }
  func.func @transform_1(%arg0: i32) -> (i32, i32) {
    %add3A = arith.constant 16 : i32
    %add3A_0 = arith.addi %arg0, %add3A : i32
    %c0_i32 = arith.constant 0 : i32
    %c0_i32_1 = arith.constant 0 : i32
    return %add3A_0, %c0_i32 : i32, i32
  }
  func.func @transform_2(%arg0: i32) -> (i32, i32) {
    %c0_i32 = arith.constant 0 : i32
    %c0_i32_0 = arith.constant 0 : i32
    return %arg0, %c0_i32 : i32, i32
  }
  func.func @transform_3(%arg0: i32) -> (i32, i32) {
    %c0_i32 = arith.constant 0 : i32
    %c0_i32_0 = arith.constant 0 : i32
    return %arg0, %c0_i32 : i32, i32
  }
  func.func @transform_4(%arg0: i32) -> (i32, i32) {
    %c0_i32 = arith.constant 0 : i32
    %c0_i32_0 = arith.constant 0 : i32
    %c0_i32_1 = arith.constant 0 : i32
    return %c0_i32, %c0_i32_0 : i32, i32
  }
  func.func @transform_5(%arg0: i32) -> (i32, i32) {
    %c0_i32 = arith.constant 0 : i32
    %c0_i32_0 = arith.constant 0 : i32
    %c0_i32_1 = arith.constant 0 : i32
    return %c0_i32, %c0_i32_0 : i32, i32
  }
  func.func @transform_6(%arg0: i32) -> (i32, i32) {
    %c0_i32 = arith.constant 0 : i32
    %c0_i32_0 = arith.constant 0 : i32
    return %arg0, %c0_i32 : i32, i32
  }
}

module attributes {stable_mosaic.version = 14 : i64} {
  func.func @_tc3_body(%arg0: i32, %arg1: memref<640x128xf32, #tpu.memory_space<vmem>>, %arg2: memref<640x128xf32, #tpu.memory_space<vmem>>, %arg3: memref<640x128xf32, #tpu.memory_space<vmem>>, %arg4: memref<640x8xf32, #tpu.memory_space<vmem>>, %arg5: memref<640x64xf32, #tpu.memory_space<vmem>>) attributes {dimension_semantics = [#tpu.dimension_semantics<arbitrary>], iteration_bounds = array<i64: 16>, scalar_prefetch = 0 : i64, scratch_operands = 0 : i64, tpu.core_type = #tpu.core_type<tc>, window_params = [{transform_indices = @transform_0, window_bounds = array<i64: 640, 128>}, {transform_indices = @transform_1, window_bounds = array<i64: 640, 128>}, {transform_indices = @transform_2, window_bounds = array<i64: 640, 128>}, {transform_indices = @transform_3, window_bounds = array<i64: 640, 8>}, {transform_indices = @transform_4, window_bounds = array<i64: 640, 64>}]} {
    %get3A = arith.constant 0 : index
    %get3A_0 = arith.constant 0 : index
    %get3A_1 = vector.load %arg4[%get3A, %get3A_0] : memref<640x8xf32, #tpu.memory_space<vmem>>, vector<640x1xf32>
    %get3A_2 = arith.constant 0 : index
    %get3A_3 = arith.constant 0 : index
    %get3A_4 = vector.load %arg1[%get3A_2, %get3A_3] : memref<640x128xf32, #tpu.memory_space<vmem>>, vector<640x64xf32>
    %get3A_5 = arith.constant 0 : index
    %get3A_6 = arith.constant 0 : index
    %get3A_7 = vector.load %arg2[%get3A_5, %get3A_6] : memref<640x128xf32, #tpu.memory_space<vmem>>, vector<640x64xf32>
    %add3A = arith.addf %get3A_4, %get3A_7 : vector<640x64xf32>
    %get3A_8 = arith.constant 0 : index
    %get3A_9 = arith.constant 0 : index
    %get3A_10 = vector.load %arg3[%get3A_8, %get3A_9] : memref<640x128xf32, #tpu.memory_space<vmem>>, vector<640x64xf32>
    %add3A_11 = arith.addf %add3A, %get3A_10 : vector<640x64xf32>
    %mul3A = vector.broadcast %get3A_1 : vector<640x1xf32> to vector<640x64xf32>
    %mul3A_12 = arith.mulf %mul3A, %add3A_11 : vector<640x64xf32>
    %reduce_max3A = arith.constant dense<0xFF800000> : vector<640xf32>
    %reduce_max3A_13 = vector.multi_reduction <maximumf>, %mul3A_12, %reduce_max3A [1] : vector<640x64xf32> to vector<640xf32>
    %broadcast_in_dim3A = vector.shape_cast %reduce_max3A_13 : vector<640xf32> to vector<640x1xf32>
    %sub3A = vector.broadcast %broadcast_in_dim3A : vector<640x1xf32> to vector<640x64xf32>
    %sub3A_14 = arith.subf %mul3A_12, %sub3A : vector<640x64xf32>
    %exp3A = math.exp %sub3A_14 : vector<640x64xf32>
    %reduce_sum3A = arith.constant dense<0.000000e+00> : vector<640xf32>
    %reduce_sum3A_15 = vector.multi_reduction <add>, %exp3A, %reduce_sum3A [1] : vector<640x64xf32> to vector<640xf32>
    %broadcast_in_dim3A_16 = vector.shape_cast %reduce_sum3A_15 : vector<640xf32> to vector<640x1xf32>
    %log3A = math.log %broadcast_in_dim3A_16 : vector<640x1xf32>
    %sub3A_17 = vector.broadcast %log3A : vector<640x1xf32> to vector<640x64xf32>
    %sub3A_18 = arith.subf %sub3A_14, %sub3A_17 : vector<640x64xf32>
    %swap3A = arith.constant 0 : index
    %swap3A_19 = arith.constant 0 : index
    %swap3A_20 = vector.load %arg5[%swap3A, %swap3A_19] : memref<640x64xf32, #tpu.memory_space<vmem>>, vector<640x64xf32>
    tpu.vector_store %arg5[%swap3A, %swap3A_19], %sub3A_18 {strides = array<i32>} : memref<640x64xf32, #tpu.memory_space<vmem>>, vector<640x64xf32>,
    return
  }
  func.func @transform_0(%arg0: i32) -> (i32, i32) {
    %c0_i32 = arith.constant 0 : i32
    %c0_i32_0 = arith.constant 0 : i32
    return %arg0, %c0_i32 : i32, i32
  }
  func.func @transform_1(%arg0: i32) -> (i32, i32) {
    %add3A = arith.constant 16 : i32
    %add3A_0 = arith.addi %arg0, %add3A : i32
    %c0_i32 = arith.constant 0 : i32
    %c0_i32_1 = arith.constant 0 : i32
    return %add3A_0, %c0_i32 : i32, i32
  }
  func.func @transform_2(%arg0: i32) -> (i32, i32) {
    %c0_i32 = arith.constant 0 : i32
    %c0_i32_0 = arith.constant 0 : i32
    return %arg0, %c0_i32 : i32, i32
  }
  func.func @transform_3(%arg0: i32) -> (i32, i32) {
    %c0_i32 = arith.constant 0 : i32
    %c0_i32_0 = arith.constant 0 : i32
    return %arg0, %c0_i32 : i32, i32
  }
  func.func @transform_4(%arg0: i32) -> (i32, i32) {
    %c0_i32 = arith.constant 0 : i32
    %c0_i32_0 = arith.constant 0 : i32
    return %arg0, %c0_i32 : i32, i32
  }
}

</mosaic_0001>

<sc_bundles>
// kernel: kernel.11.cloned.1.call-start
scs
__scs_entry_jumppad:
0x0: {  	(pc) =	sbr.rel $0x88, $3  }
0x1: {  	(tag) =	ssettag $0x0;
	lr =	simm.s32 $0x1  }
0x2: {  	[smem:$0x3F9B] =	sst lr;
	_ =	strace $0xD0000000  }
0x3: {  	_ = 	snop  }
0x4: {  	_ = 	snop  }
0x5: {  	_ = 	snop  }
0x6: {  	_ = 	snop  }
0x7: {  	_ = 	snop  }
__scs_overlays_trampoline_lowered:
0x8: {  	[smem:$0x3FAA] =	sst s0  }
0x9: {  	[smem:$0x3FAB] =	sst s1  }
0xa: {  	[smem:$0x3FAC] =	sst s2  }
0xb: {  	[smem:$0x3FAD] =	sst s3  }
0xc: {  	[smem:$0x3FAE] =	sst s4  }
0xd: {  	[smem:$0x3FAF] =	sst s5  }
0xe: {  	[smem:$0x3FB0] =	sst s6  }
0xf: {  	[smem:$0x3FB1] =	sst s7  }
0x10: {  	[smem:$0x3FB2] =	sst s8  }
0x11: {  	[smem:$0x3FB3] =	sst s9;
	s0 =	simm.s32 @!p0 $0x0  }
0x12: {  	s1 =	sld [smem:$0x3F99];
	s0 =	simm.s32 @p0 $0x1  }
0x13: {  	[smem:$0x3FB4] =	sst s0;
	s0 =	simm.s32 @!p1 $0x0  }
0x14: {  	s2 =	sld [smem:$0x3F98];
	s0 =	simm.s32 @p1 $0x1  }
0x15: {  	[smem:$0x3FB5] =	sst s0;
	s0 =	simm.s32 @!p2 $0x0  }
0x16: {  	s3 =	sld [smem:$0x3FDB];
	s0 =	simm.s32 @p2 $0x1  }
0x17: {  	s4 =	simm.s32 $0x1BF5;
	[smem:$0x3FB7] =	sst s0  }
0x18: {  	s0 =	sld [smem:$0x3F9A];
	_ =	swait.ge [sflag:s4], $0x0  }
0x19: {  	s7 =	sld [smem:$0x3F9B]  }
0x1a: {  	s8 =	sadd.s32 $0xFFFFE003, lr  }
0x1b: {  	s9 =	sadd.s32 $0xFFFFFEF7, lr;
	s5 =	simm.s32 $0xFFFFFFFF;
	p2 =	slt.u32 s8, $0xFFFFF086  }
0x1c: {  	p1 =	slt.u32 s9, $0xF7A;
	s5 =	simm.s32 @!p2 $0x0  }
0x1d: {  	s5 =	simm.s32 @p1 $0x1;
	p0 =	seq.s32 s7, s2  }
0x1e: {  	s7 =	smul.u32 @!p0 $0xF7A, s2;
	p2 =	seq.s32 @!p0 s5, $0x0  }
0x1f: {  	s9 =	smul.u32 $0xF7A, s1;
	s8 =	simm.s32 @!p0 $0x1BF5;
	p2 =	por !p2, p0  }
0x20: {  	[sflag:s8] =	ssyncset.s32 @!p0 $0xFFFFF086;
	s6 =	sadd.s32 @!p0 s3, s7;
	s7 =	simm.s32 @!p0 $0x108  }
0x21: {  	s3 =	sadd.s32 s3, s9;
	s6 =	sadd.s32 @!p0 $0x88, s6;
	s7 =	simm.s32 @p2 $0x1082  }
0x22: {  	[simem:s7], [sflag:s8] =	dma.local @!p0 [hbm:s6], $0xF7A  }
0x23: {  	s9 =	sor.u32 $0xD0000000, s2;
	s6 =	simm.s32 $0x108;
	_ =	swait.ge @!p0 [sflag:s8], $0x0  }
0x24: {  	s3 =	sadd.s32 $0x88, s3;
	s6 =	simm.s32 @!p1 $0x1082;
	[sflag:s4] =	ssyncset.s32 $0xFFFFF086  }
0x25: {  	[simem:s6], [sflag:s4] =	dma.local [hbm:s3], $0xF7A  }
0x26: {  	[smem:$0x3F9B] =	sst s1;
	(tag) =	ssettag s2;
	_ =	strace s9  }
0x27: {  	s1 =	sld [smem:$0x3FAB]  }
0x28: {  	s2 =	sld [smem:$0x3FAC]  }
0x29: {  	s4 =	sld [smem:$0x3FAE]  }
0x2a: {  	p0 =	seq.s32 s5, $0x0;
	s5 =	sld [smem:$0x3FAF]  }
0x2b: {  	s6 =	sld [smem:$0x3FB0]  }
0x2c: {  	s7 =	sld [smem:$0x3FB1]  }
0x2d: {  	s3 =	simm.s32 $0x108;
	s8 =	sld [smem:$0x3FB2]  }
0x2e: {  	s3 =	simm.s32 @!p0 $0x1082;
	s9 =	sld [smem:$0x3FB3]  }
0x2f: {  	lr =	sadd.s32 s0, s3;
	s0 =	sld [smem:$0x3FAA]  }
0x30: {  	s3 =	sld [smem:$0x3FAD]  }
0x31: {  	[smem:$0x3FB6] =	sst s10  }
0x32: {  	s10 =	sld [smem:$0x3FB4];
	_ =	sdelay $0x3  }
0x33: {  	p0 =	seq.s32 s10, $0x1;
	s10 =	sld [smem:$0x3FB6];
	_ =	sdelay $0x3  }
0x34: {  	[smem:$0x3FB6] =	sst s10  }
0x35: {  	s10 =	sld [smem:$0x3FB5];
	_ =	sdelay $0x3  }
0x36: {  	p1 =	seq.s32 s10, $0x1;
	s10 =	sld [smem:$0x3FB6];
	_ =	sdelay $0x3  }
0x37: {  	[smem:$0x3FB6] =	sst s10  }
0x38: {  	s10 =	sld [smem:$0x3FB7]  }
0x39: {  	_ = 	snop;
	(pc) =	sbr.ind lr, $3  }
0x3a: {  	_ = 	snop  }
0x3b: {  	_ = 	snop  }
0x3c: {  	p2 =	seq.s32 s10, $0x1;
	s10 =	sld [smem:$0x3FB6]  }
0x3d: {  	_ =	shalt  }
0x3e: {  	_ =	shalt  }
0x3f: {  	_ =	shalt  }
0x40: {  	_ =	shalt  }
0x41: {  	_ =	shalt  }
0x42: {  	_ =	shalt  }
0x43: {  	_ =	shalt  }
0x44: {  	_ =	shalt  }
0x45: {  	_ =	shalt  }
0x46: {  	_ =	shalt  }
0x47: {  	_ =	shalt  }
0x48: {  	_ =	shalt  }
0x49: {  	_ =	shalt  }
0x4a: {  	_ =	shalt  }
0x4b: {  	_ =	shalt  }
0x4c: {  	_ =	shalt  }
0x4d: {  	_ =	shalt  }
0x4e: {  	_ =	shalt  }
0x4f: {  	_ =	shalt  }
0x50: {  	_ =	shalt  }
0x51: {  	_ =	shalt  }
0x52: {  	_ =	shalt  }
0x53: {  	_ =	shalt  }
0x54: {  	_ =	shalt  }
0x55: {  	_ =	shalt  }
0x56: {  	_ =	shalt  }
0x57: {  	_ =	shalt  }
0x58: {  	_ =	shalt  }
0x59: {  	_ =	shalt  }
0x5a: {  	_ =	shalt  }
0x5b: {  	_ =	shalt  }
0x5c: {  	_ =	shalt  }
0x5d: {  	_ =	shalt  }
0x5e: {  	_ =	shalt  }
0x5f: {  	_ =	shalt  }
0x60: {  	_ =	shalt  }
0x61: {  	_ =	shalt  }
0x62: {  	_ =	shalt  }
0x63: {  	_ =	shalt  }
0x64: {  	_ =	shalt  }
0x65: {  	_ =	shalt  }
0x66: {  	_ =	shalt  }
0x67: {  	_ =	shalt  }
0x68: {  	_ =	shalt  }
0x69: {  	_ =	shalt  }
0x6a: {  	_ =	shalt  }
0x6b: {  	_ =	shalt  }
0x6c: {  	_ =	shalt  }
0x6d: {  	_ =	shalt  }
0x6e: {  	_ =	shalt  }
0x6f: {  	_ =	shalt  }
0x70: {  	_ =	shalt  }
0x71: {  	_ =	shalt  }
0x72: {  	_ =	shalt  }
0x73: {  	_ =	shalt  }
0x74: {  	_ =	shalt  }
0x75: {  	_ =	shalt  }
0x76: {  	_ =	shalt  }
0x77: {  	_ =	shalt  }
0x78: {  	_ =	shalt  }
0x79: {  	_ =	shalt  }
0x7a: {  	_ =	shalt  }
0x7b: {  	_ =	shalt  }
0x7c: {  	_ =	shalt  }
0x7d: {  	_ =	shalt  }
0x7e: {  	_ =	shalt  }
0x7f: {  	_ =	shalt  }
0x80: {  	_ =	shalt  }
0x81: {  	_ =	shalt  }
0x82: {  	_ =	shalt  }
0x83: {  	_ =	shalt  }
0x84: {  	_ =	shalt  }
0x85: {  	_ =	shalt  }
0x86: {  	_ =	shalt  }
0x87: {  	_ =	shalt  }
.Lfunc_end0:
.L_simem_size_0:
called_computation.1_lowered:
.L_overlay_start_0:
0x88: {  	s2 =	sld [smem:$0x3FD9]  }
0x89: {  	s3 =	sld [smem:$0x3FFE];
	_ =	sdelay $0x1  }
0x8a: {  	s1 =	srdreg.scid  }
0x8b: {  	s0 =	sand.u32 $0x1, s1  }
0x8c: {  	s16 =	sshll.u32 s0, $0xA;
	s2 =	sadd.s32 s3, s2  }
0x8d: {  	s2 =	sadd.s32 s2, s16  }
0x8e: {  	[smem:$0x3FC2] =	sst s2  }
0x8f: {  	_ = 	snop  }
0x90: {  	(tm) =	ssettm $0x1  }
0x91: {  	s17 =	sld [smem:$0x3FFB];
	_ =	sdelay $0x3  }
0x92: {  	_ =	strace s17  }
0x93: {  	s2 =	sld [smem:$0x3FFC];
	_ =	sdelay $0x3  }
0x94: {  	_ =	strace s2  }
0x95: {  	s2 =	sld [smem:$0x3FFD];
	_ =	sdelay $0x3  }
0x96: {  	_ =	strace s2  }
0x97: {  	_ =	strace $0x8FFFFFFF  }
0x98: {  	s18 =	sld [smem:$0x3FDB];
	_ =	sdelay $0x1  }
0x99: {  	s19 =	simm.s32 $_scs_section_size  }
0x9a: {  	s4 =	simm.s32 $_size__tile_overlayer_lowered;
	s5 =	simm.s32 $_tile_overlayer_lowered  }
0x9b: {  	s22 =	simm.s32 $0x1BFF;
	s21 =	sshll.u32 s5, $0x1;
	s2 =	sadd.s32 s19, s18  }
0x9c: {  	s6 =	simm.s32 $0x0;
	s20 =	sshll.u32 s4, $0x1;
	s4 =	sadd.s32 s21, s2  }
0x9d: {  	[timem:s6], [sflag:s22] =	dma.local [hbm:s4], s20  }
0x9e: {  	_ =	swait.ge [sflag:s22], s20  }
0x9f: {  	s3 =	ssub.s32 $0x0, s20;
	[sflag:s22] =	ssyncset.done $0x0  }
0xa0: {  	[sflag:s22] =	ssyncadd.s32 s3;
	_ =	sdelay $0x1  }
0xa1: {  	s23 =	simm.s32 $0x1B8B  }
0xa2: {  	_ =	swait.ge [sflag:s23], $0x1  }
0xa3: {  	[sflag:s23] =	ssyncset.done $0x0  }
0xa4: {  	s25 =	simm.s32 $0x1B8E;
	s24 =	sld [smem:$0x3FFE];
	[sflag:s23] =	ssyncadd.s32 $0xFFFFFFFF  }
0xa5: {  	s26 =	simm.s32 $execute0_lowered;
	[smem:$0x3FD2] =	sst s25  }
0xa6: {  	s4 =	sshll.u32 s26, $0x1;
	_ =	strace $0x80000049;
	[dreg:$0x1] =	wrdreg $0xFFFFFFFF  }
0xa7: {  	s28 =	simm.s32 $_size_execute0_lowered;
	s2 =	sadd.s32 s2, s4;
	[dreg:$0x0] =	wrdreg $0x0  }
0xa8: {  	s4 =	sshll.u32 s28, $0x1;
	[dreg:$0x2] =	wrdreg s2  }
0xa9: {  	[dreg:$0x3] =	wrdreg s4  }
0xaa: {  	[dreg:$0x4] =	wrdreg $0xC0  }
0xab: {  	_ =	task [dreg:s6], $0x5FFFF  }
0xac: {  	[dreg:$0x1] =	wrdreg $0xFFFFFFFF  }
0xad: {  	[dreg:$0x0] =	wrdreg $0x60  }
0xae: {  	[dreg:$0x2] =	wrdreg s24  }
0xaf: {  	[dreg:$0x3] =	wrdreg $0x88000  }
0xb0: {  	[dreg:$0x4] =	wrdreg $0x9  }
0xb1: {  	_ =	task.clear_ibuf [dreg:s6], $0x5FFFF;
	_ =	strace $0x90000049  }
0xb2: {  	s29 =	simm.s32 $0x9;
	_ =	strace $0x8000004B  }
0xb3: {  	_ =	swait.ge [sflag:s29], $0x1  }
0xb4: {  	[sflag:s29] =	ssyncadd.s32 $0xFFFFFFFF  }
0xb5: {  	_ =	strace $0x9000004B  }
0xb6: {  	_ =	sfence  }
0xb7: {  	s30 =	sld [smem:$0x0];
	_ =	sdelay $0x2  }
0xb8: {  	s31 =	sshll.u32 s1, $0xD;
	s1 =	sshrl.u32 s1, $0x2  }
0xb9: {  	s3 =	sand.u32 $0x4000, s31;
	s1 =	sadd.s32 s1, s30  }
0xba: {  	s0 =	sor.u32 s3, s0;
	s1 =	sshll.u32 s1, $0x11  }
0xbb: {  	s0 =	sor.u32 s1, s0  }
0xbc: {  	s0 =	sadd.s32 $0x8F2B, s0  }
0xbd: {  	[sflag:s0] =	ssyncadd.remote.s32 $0x1  }
0xbe: {  	_ =	sfence.sel $0xFFFF  }
0xbf: {  	[dreg:$0x0] =	wrdreg $0xFFFFFFFF;
	(pc) =	sbr.abs _section_cstart, $3  }
0xc0: {  	[dreg:$0x1] =	wrdreg $0xFFFFFFFF  }
0xc1: {  	_ =	task.clear_ibuf [dreg:s6], $0x2FFFF;
	_ =	strace $0x9FFFFFFF  }
0xc2: {  	(tm) =	ssettm $0x7FFFFFFF  }
0xc3: {  	_ =	shalt  }
tec
execute0_lowered:
.L_overlay_start_1:
0x0: {  	(tag) =	ssettag $0x1  }
0x1: {  	s0 =	rddreg [dreg:$0x0]  }
0x2: {  	s1 =	rddreg [dreg:$0x1];
	s2 =	srdreg.scid;
	s3 =	simm.s32 $0x0  }
0x3: {  	s11 =	stileid.u32;
	s12 =	simm.s32 $0x400;
	s13 =	simm.s32 $0x80  }
0x4: {  	s14 =	simm.s32 $0x800;
	s15 =	simm.s32 $0x4800;
	s16 =	simm.s32 $0x1  }
0x5: {  	s17 =	simm.s32 $0x3;
	s18 =	simm.s32 $0x100;
	s19 =	simm.s32 $0x2  }
0x6: {  	s20 =	simm.s32 $0x480;
	s21 =	simm.s32 $0x4;
	s28 =	simm.s32 $0x600  }
0x7: {  	s29 =	simm.s32 $0x300;
	s30 =	simm.s32 $0x680;
	s5 =	smul.u32 $0x2800, s11  }
0x8: {  	s31 =	simm.s32 $0x380;
	s2 =	sand.u32 $0x1, s2;
	s8 =	smul.u32 $0x50000, s11  }
0x9: {  	[smem:$0x7FF] =	sst s3;
	s10 =	smul.u32 $0x500, s11;
	s25 =	sshll.u32 s11, $0x6  }
0xa: {  	s11 =	simm.s32 $0x5;
	s4 =	smul.u32 $0x5000, s2;
	_ =	strace $0x8000004A  }
0xb: {  	s6 =	smul.u32 $0x28000, s2;
	s2 =	ssub.s32 $0x2, s2;
	s9 =	sadd.s32 s5, s0  }
0xc: {  	s22 =	sshrl.u32 s2, $0x1;
	s8 =	sshrl.u32 s8, $0x2;
	s7 =	sadd.s32 s4, s0  }
0xd: {  	s4 =	sadd.s32 $0x3EE00, s0;
	s5 =	sadd.s32 s5, s6;
	s2 =	ssub.s32 s2, s22  }
0xe: {  	s23 =	sadd.s32 s8, s1;
	s24 =	sadd.s32 $0x16E00, s9;
	s6 =	sor.u32 $0x1C05, s25  }
0xf: {  	s22 =	simm.s32 $0x180;
	s25 =	simm.s32 $0x580;
	s8 =	simm.s32 $0x0  }
0x10: {  	s0 =	sadd.s32 s5, s0;
	[dreg:$0x4] =	wrdreg s24;
	s7 =	sadd.s32 s10, s7  }
0x11: {  	s2 =	smax.u32 s2, $0x1;
	s24 =	simm.s32 $0x200;
	[dreg:$0x5] =	wrdreg s6  }
0x12: {  	s0 =	sadd.s32 $0x66E00, s0;
	s26 =	sadd.s32 $0xC600, s7;
	[dreg:$0x7] =	wrdreg s2  }
0x13: {  	s9 =	sadd.s32 $0x2600, s7;
	s7 =	sshrl.u32 s23, $0x3;
	[dreg:$0x6] =	wrdreg s0  }
0x14: {  	s23 =	simm.s32 $0x500;
	s2 =	simm.s32 $0x780;
	[dreg:$0x3] =	wrdreg s26  }
0x15: {  	s26 =	simm.s32 $0x280;
	s0 =	simm.s32 $0x700;
	[dreg:$0x8] =	wrdreg s7  }
.LBB2_1:
0x16: {  	[dreg:$0x9] =	wrdreg s8  }
0x17: {  	s5 =	rddreg [dreg:$0x4]  }
0x18: {  	[spmem:s7], [sflag:s6] =	dma.local [hbm:s5], $0x2800  }
0x19: {  	_ =	swait.ge [sflag:s11], $0x2800  }
0x1a: {  	[sflag:s11] =	ssyncset.done $0x0  }
0x1b: {  	[sflag:s11] =	ssyncadd.s32 $0xFFFFD800  }
0x1c: {  	s8 =	sadd.s32 $0x0, s9;
	[bflag:$0x0] =	sbarrier.arrive $0xFFFF  }
0x1d: {  	[tilespmem:s3], [sflag:$0x5] =	stream.linear.gather [hbm4b:s8+s3], $0x400, $0x38;
	[tilespmem:$0x1C800] =	vst v63  }
0x1e: {  	_ =	swait.ge [sflag:s11], $0x400  }
0x1f: {  	s10 =	rddreg [dreg:$0x3];
	[sflag:s11] =	ssyncset.done $0x0  }
0x20: {  	[sflag:s11] =	ssyncadd.s32 $0xFFFFFC00;
	s6 =	sadd.s32 $0x0, s10  }
0x21: {  	[tilespmem:s12], [sflag:$0x5] =	stream.linear.gather [hbm4b:s6+s3], $0x400, $0x38;
	[tilespmem:$0x1C800] =	vst v63  }
0x22: {  	_ =	swait.ge [sflag:s11], $0x400  }
0x23: {  	[sflag:s11] =	ssyncset.done $0x0  }
0x24: {  	[sflag:s11] =	ssyncadd.s32 $0xFFFFFC00  }
0x25: {  	[tilespmem:s14], [sflag:$0x1] =	stream.indirect.gather [hbm4b:s4+s13], $0x80, s3, s13, $0xb8;
	[tilespmem:$0x1C800] =	vst v63  }
0x26: {  	_ = 	snop  }
0x27: {  	[tilespmem:s15], [sflag:$0x2] =	stream.indirect.gather [hbm4b:s4+s13], $0x80, s13, s13, $0xb8;
	[tilespmem:$0x1C800] =	vst v63  }
0x28: {  	_ =	swait.ge [sflag:s16], $0x4000  }
0x29: {  	[sflag:s16] =	ssyncset.done $0x0  }
0x2a: {  	[sflag:s16] =	ssyncadd.s32 $0xFFFFC000  }
0x2b: {  	[spmem:s1] =	stream.indirect.scatter.add.f32 [tilespmem:s14], [sflag:$0x3], $0x80, s12, s13, $0xb8;
	[tilespmem:$0x1C800] =	vst v63  }
0x2c: {  	_ =	swait.ge [sflag:s17], $0x4000  }
0x2d: {  	[sflag:s17] =	ssyncset.done $0x0  }
0x2e: {  	[sflag:s17] =	ssyncadd.s32 $0xFFFFC000  }
0x2f: {  	[tilespmem:s14], [sflag:$0x1] =	stream.indirect.gather [hbm4b:s4+s13], $0x80, s18, s13, $0xb8;
	[tilespmem:$0x1C800] =	vst v63  }
0x30: {  	_ =	swait.ge [sflag:s19], $0x4000  }
0x31: {  	[sflag:s19] =	ssyncset.done $0x0  }
0x32: {  	[sflag:s19] =	ssyncadd.s32 $0xFFFFC000  }
0x33: {  	[spmem:s1] =	stream.indirect.scatter.add.f32 [tilespmem:s15], [sflag:$0x4], $0x80, s20, s13, $0xb8;
	[tilespmem:$0x1C800] =	vst v63  }
0x34: {  	_ =	swait.ge [sflag:s21], $0x4000  }
0x35: {  	[sflag:s21] =	ssyncset.done $0x0  }
0x36: {  	[sflag:s21] =	ssyncadd.s32 $0xFFFFC000  }
0x37: {  	[tilespmem:s15], [sflag:$0x2] =	stream.indirect.gather [hbm4b:s4+s13], $0x80, s22, s13, $0xb8;
	[tilespmem:$0x1C800] =	vst v63  }
0x38: {  	_ =	swait.ge [sflag:s16], $0x4000  }
0x39: {  	[sflag:s16] =	ssyncset.done $0x0  }
0x3a: {  	[sflag:s16] =	ssyncadd.s32 $0xFFFFC000  }
0x3b: {  	[spmem:s1] =	stream.indirect.scatter.add.f32 [tilespmem:s14], [sflag:$0x3], $0x80, s23, s13, $0xb8;
	[tilespmem:$0x1C800] =	vst v63  }
0x3c: {  	_ =	swait.ge [sflag:s17], $0x4000  }
0x3d: {  	[sflag:s17] =	ssyncset.done $0x0  }
0x3e: {  	[sflag:s17] =	ssyncadd.s32 $0xFFFFC000  }
0x3f: {  	[tilespmem:s14], [sflag:$0x1] =	stream.indirect.gather [hbm4b:s4+s13], $0x80, s24, s13, $0xb8;
	[tilespmem:$0x1C800] =	vst v63  }
0x40: {  	_ =	swait.ge [sflag:s19], $0x4000  }
0x41: {  	[sflag:s19] =	ssyncset.done $0x0  }
0x42: {  	[sflag:s19] =	ssyncadd.s32 $0xFFFFC000  }
0x43: {  	[spmem:s1] =	stream.indirect.scatter.add.f32 [tilespmem:s15], [sflag:$0x4], $0x80, s25, s13, $0xb8;
	[tilespmem:$0x1C800] =	vst v63  }
0x44: {  	_ =	swait.ge [sflag:s21], $0x4000  }
0x45: {  	[sflag:s21] =	ssyncset.done $0x0  }
0x46: {  	[sflag:s21] =	ssyncadd.s32 $0xFFFFC000  }
0x47: {  	[tilespmem:s15], [sflag:$0x2] =	stream.indirect.gather [hbm4b:s4+s13], $0x80, s26, s13, $0xb8;
	[tilespmem:$0x1C800] =	vst v63  }
0x48: {  	_ =	swait.ge [sflag:s16], $0x4000  }
0x49: {  	[sflag:s16] =	ssyncset.done $0x0  }
0x4a: {  	[sflag:s16] =	ssyncadd.s32 $0xFFFFC000  }
0x4b: {  	[spmem:s1] =	stream.indirect.scatter.add.f32 [tilespmem:s14], [sflag:$0x3], $0x80, s28, s13, $0xb8;
	[tilespmem:$0x1C800] =	vst v63  }
0x4c: {  	_ =	swait.ge [sflag:s17], $0x4000  }
0x4d: {  	[sflag:s17] =	ssyncset.done $0x0  }
0x4e: {  	[sflag:s17] =	ssyncadd.s32 $0xFFFFC000  }
0x4f: {  	[tilespmem:s14], [sflag:$0x1] =	stream.indirect.gather [hbm4b:s4+s13], $0x80, s29, s13, $0xb8;
	[tilespmem:$0x1C800] =	vst v63  }
0x50: {  	_ =	swait.ge [sflag:s19], $0x4000  }
0x51: {  	[sflag:s19] =	ssyncset.done $0x0  }
0x52: {  	[sflag:s19] =	ssyncadd.s32 $0xFFFFC000  }
0x53: {  	[spmem:s1] =	stream.indirect.scatter.add.f32 [tilespmem:s15], [sflag:$0x4], $0x80, s30, s13, $0xb8;
	[tilespmem:$0x1C800] =	vst v63  }
0x54: {  	_ =	swait.ge [sflag:s21], $0x4000  }
0x55: {  	[sflag:s21] =	ssyncset.done $0x0  }
0x56: {  	[sflag:s21] =	ssyncadd.s32 $0xFFFFC000  }
0x57: {  	[tilespmem:s15], [sflag:$0x2] =	stream.indirect.gather [hbm4b:s4+s13], $0x80, s31, s13, $0xb8;
	[tilespmem:$0x1C800] =	vst v63  }
0x58: {  	_ =	swait.ge [sflag:s16], $0x4000  }
0x59: {  	[sflag:s16] =	ssyncset.done $0x0  }
0x5a: {  	[sflag:s16] =	ssyncadd.s32 $0xFFFFC000  }
0x5b: {  	[spmem:s1] =	stream.indirect.scatter.add.f32 [tilespmem:s14], [sflag:$0x3], $0x80, s0, s13, $0xb8;
	[tilespmem:$0x1C800] =	vst v63  }
0x5c: {  	_ =	swait.ge [sflag:s19], $0x4000  }
0x5d: {  	[sflag:s19] =	ssyncset.done $0x0  }
0x5e: {  	[sflag:s19] =	ssyncadd.s32 $0xFFFFC000  }
0x5f: {  	[spmem:s1] =	stream.indirect.scatter.add.f32 [tilespmem:s15], [sflag:$0x4], $0x80, s2, s13, $0xb8;
	[tilespmem:$0x1C800] =	vst v63  }
0x60: {  	_ =	swait.ge [sflag:s17], $0x4000  }
0x61: {  	[sflag:s17] =	ssyncset.done $0x0  }
0x62: {  	[sflag:s17] =	ssyncadd.s32 $0xFFFFC000  }
0x63: {  	_ =	swait.ge [sflag:s21], $0x4000  }
0x64: {  	s7 =	simm.s32 $0x80;
	s8 =	simm.s32 $0x100;
	[sflag:s21] =	ssyncset.done $0x0  }
.LBB2_2:
0x65: {  	s10 =	sadd.s32 s7, s9;
	[sflag:s21] =	ssyncadd.s32 $0xFFFFC000  }
0x66: {  	[tilespmem:s3], [sflag:$0x5] =	stream.linear.gather [hbm4b:s10+s3], $0x400, $0x38;
	[tilespmem:$0x1C800] =	vst v63  }
0x67: {  	s5 =	smov.u32 s8;
	_ =	swait.ge [sflag:s11], $0x400  }
0x68: {  	s6 =	sadd.s32 $0x80, s8;
	s10 =	rddreg [dreg:$0x3];
	[sflag:s11] =	ssyncset.done $0x0  }
0x69: {  	p0 =	sne.s32 s8, $0x480;
	[sflag:s11] =	ssyncadd.s32 $0xFFFFFC00;
	s8 =	sadd.s32 s7, s10  }
0x6a: {  	[tilespmem:s12], [sflag:$0x5] =	stream.linear.gather [hbm4b:s8+s3], $0x400, $0x38;
	[tilespmem:$0x1C800] =	vst v63  }
0x6b: {  	_ =	swait.ge [sflag:s11], $0x400  }
0x6c: {  	[sflag:s11] =	ssyncset.done $0x0  }
0x6d: {  	[sflag:s11] =	ssyncadd.s32 $0xFFFFFC00  }
0x6e: {  	[tilespmem:s14], [sflag:$0x1] =	stream.indirect.gather [hbm4b:s4+s13], $0x80, s3, s13, $0xb8;
	[tilespmem:$0x1C800] =	vst v63  }
0x6f: {  	_ = 	snop  }
0x70: {  	[tilespmem:s15], [sflag:$0x2] =	stream.indirect.gather [hbm4b:s4+s13], $0x80, s13, s13, $0xb8;
	[tilespmem:$0x1C800] =	vst v63  }
0x71: {  	_ =	swait.ge [sflag:s16], $0x4000  }
0x72: {  	[sflag:s16] =	ssyncset.done $0x0  }
0x73: {  	[sflag:s16] =	ssyncadd.s32 $0xFFFFC000  }
0x74: {  	[spmem:s1] =	stream.indirect.scatter.add.f32 [tilespmem:s14], [sflag:$0x3], $0x80, s12, s13, $0xb8;
	[tilespmem:$0x1C800] =	vst v63  }
0x75: {  	_ =	swait.ge [sflag:s17], $0x4000  }
0x76: {  	[sflag:s17] =	ssyncset.done $0x0  }
0x77: {  	[sflag:s17] =	ssyncadd.s32 $0xFFFFC000  }
0x78: {  	[tilespmem:s14], [sflag:$0x1] =	stream.indirect.gather [hbm4b:s4+s13], $0x80, s18, s13, $0xb8;
	[tilespmem:$0x1C800] =	vst v63  }
0x79: {  	_ =	swait.ge [sflag:s19], $0x4000  }
0x7a: {  	[sflag:s19] =	ssyncset.done $0x0  }
0x7b: {  	[sflag:s19] =	ssyncadd.s32 $0xFFFFC000  }
0x7c: {  	[spmem:s1] =	stream.indirect.scatter.add.f32 [tilespmem:s15], [sflag:$0x4], $0x80, s20, s13, $0xb8;
	[tilespmem:$0x1C800] =	vst v63  }
0x7d: {  	_ =	swait.ge [sflag:s21], $0x4000  }
0x7e: {  	[sflag:s21] =	ssyncset.done $0x0  }
0x7f: {  	[sflag:s21] =	ssyncadd.s32 $0xFFFFC000  }
0x80: {  	[tilespmem:s15], [sflag:$0x2] =	stream.indirect.gather [hbm4b:s4+s13], $0x80, s22, s13, $0xb8;
	[tilespmem:$0x1C800] =	vst v63  }
0x81: {  	_ =	swait.ge [sflag:s16], $0x4000  }
0x82: {  	[sflag:s16] =	ssyncset.done $0x0  }
0x83: {  	[sflag:s16] =	ssyncadd.s32 $0xFFFFC000  }
0x84: {  	[spmem:s1] =	stream.indirect.scatter.add.f32 [tilespmem:s14], [sflag:$0x3], $0x80, s23, s13, $0xb8;
	[tilespmem:$0x1C800] =	vst v63  }
0x85: {  	_ =	swait.ge [sflag:s17], $0x4000  }
0x86: {  	[sflag:s17] =	ssyncset.done $0x0  }
0x87: {  	[sflag:s17] =	ssyncadd.s32 $0xFFFFC000  }
0x88: {  	[tilespmem:s14], [sflag:$0x1] =	stream.indirect.gather [hbm4b:s4+s13], $0x80, s24, s13, $0xb8;
	[tilespmem:$0x1C800] =	vst v63  }
0x89: {  	_ =	swait.ge [sflag:s19], $0x4000  }
0x8a: {  	[sflag:s19] =	ssyncset.done $0x0  }
0x8b: {  	[sflag:s19] =	ssyncadd.s32 $0xFFFFC000  }
0x8c: {  	[spmem:s1] =	stream.indirect.scatter.add.f32 [tilespmem:s15], [sflag:$0x4], $0x80, s25, s13, $0xb8;
	[tilespmem:$0x1C800] =	vst v63  }
0x8d: {  	_ =	swait.ge [sflag:s21], $0x4000  }
0x8e: {  	[sflag:s21] =	ssyncset.done $0x0  }
0x8f: {  	[sflag:s21] =	ssyncadd.s32 $0xFFFFC000  }
0x90: {  	[tilespmem:s15], [sflag:$0x2] =	stream.indirect.gather [hbm4b:s4+s13], $0x80, s26, s13, $0xb8;
	[tilespmem:$0x1C800] =	vst v63  }
0x91: {  	_ =	swait.ge [sflag:s16], $0x4000  }
0x92: {  	[sflag:s16] =	ssyncset.done $0x0  }
0x93: {  	[sflag:s16] =	ssyncadd.s32 $0xFFFFC000  }
0x94: {  	[spmem:s1] =	stream.indirect.scatter.add.f32 [tilespmem:s14], [sflag:$0x3], $0x80, s28, s13, $0xb8;
	[tilespmem:$0x1C800] =	vst v63  }
0x95: {  	_ =	swait.ge [sflag:s17], $0x4000  }
0x96: {  	[sflag:s17] =	ssyncset.done $0x0  }
0x97: {  	[sflag:s17] =	ssyncadd.s32 $0xFFFFC000  }
0x98: {  	[tilespmem:s14], [sflag:$0x1] =	stream.indirect.gather [hbm4b:s4+s13], $0x80, s29, s13, $0xb8;
	[tilespmem:$0x1C800] =	vst v63  }
0x99: {  	_ =	swait.ge [sflag:s19], $0x4000  }
0x9a: {  	[sflag:s19] =	ssyncset.done $0x0  }
0x9b: {  	[sflag:s19] =	ssyncadd.s32 $0xFFFFC000  }
0x9c: {  	[spmem:s1] =	stream.indirect.scatter.add.f32 [tilespmem:s15], [sflag:$0x4], $0x80, s30, s13, $0xb8;
	[tilespmem:$0x1C800] =	vst v63  }
0x9d: {  	_ =	swait.ge [sflag:s21], $0x4000  }
0x9e: {  	[sflag:s21] =	ssyncset.done $0x0  }
0x9f: {  	[sflag:s21] =	ssyncadd.s32 $0xFFFFC000  }
0xa0: {  	[tilespmem:s15], [sflag:$0x2] =	stream.indirect.gather [hbm4b:s4+s13], $0x80, s31, s13, $0xb8;
	[tilespmem:$0x1C800] =	vst v63  }
0xa1: {  	_ =	swait.ge [sflag:s16], $0x4000  }
0xa2: {  	[sflag:s16] =	ssyncset.done $0x0  }
0xa3: {  	[sflag:s16] =	ssyncadd.s32 $0xFFFFC000  }
0xa4: {  	[spmem:s1] =	stream.indirect.scatter.add.f32 [tilespmem:s14], [sflag:$0x3], $0x80, s0, s13, $0xb8;
	[tilespmem:$0x1C800] =	vst v63  }
0xa5: {  	_ =	swait.ge [sflag:s19], $0x4000  }
0xa6: {  	[sflag:s19] =	ssyncset.done $0x0  }
0xa7: {  	[sflag:s19] =	ssyncadd.s32 $0xFFFFC000  }
0xa8: {  	[spmem:s1] =	stream.indirect.scatter.add.f32 [tilespmem:s15], [sflag:$0x4], $0x80, s2, s13, $0xb8;
	[tilespmem:$0x1C800] =	vst v63  }
.Ltmp0:
0xa9: {  	_ =	swait.ge [sflag:s17], $0x4000;
	(pc) =	sbr.rel @p0 .LBB2_2-.Ltmp0, $4  }
0xaa: {  	[sflag:s17] =	ssyncset.done $0x0  }
0xab: {  	[sflag:s17] =	ssyncadd.s32 $0xFFFFC000  }
0xac: {  	_ =	swait.ge [sflag:s21], $0x4000  }
0xad: {  	s7 =	smov.u32 s5;
	s8 =	smov.u32 s6;
	[sflag:s21] =	ssyncset.done $0x0  }
0xae: {  	s5 =	sadd.s32 s7, s9;
	[sflag:s21] =	ssyncadd.s32 $0xFFFFC000  }
0xaf: {  	[tilespmem:s3], [sflag:$0x5] =	stream.linear.gather [hbm4b:s5+s3], $0x400, $0x38;
	[tilespmem:$0x1C800] =	vst v63  }
0xb0: {  	_ =	swait.ge [sflag:s11], $0x400  }
0xb1: {  	s6 =	rddreg [dreg:$0x3];
	[sflag:s11] =	ssyncset.done $0x0  }
0xb2: {  	s5 =	sadd.s32 s7, s6;
	[sflag:s11] =	ssyncadd.s32 $0xFFFFFC00  }
0xb3: {  	[tilespmem:s12], [sflag:$0x5] =	stream.linear.gather [hbm4b:s5+s3], $0x400, $0x38;
	[tilespmem:$0x1C800] =	vst v63  }
0xb4: {  	_ =	swait.ge [sflag:s11], $0x400  }
0xb5: {  	[sflag:s11] =	ssyncset.done $0x0  }
0xb6: {  	[sflag:s11] =	ssyncadd.s32 $0xFFFFFC00  }
0xb7: {  	[tilespmem:s14], [sflag:$0x1] =	stream.indirect.gather [hbm4b:s4+s13], $0x80, s3, s13, $0xb8;
	[tilespmem:$0x1C800] =	vst v63  }
0xb8: {  	_ = 	snop  }
0xb9: {  	[tilespmem:s15], [sflag:$0x2] =	stream.indirect.gather [hbm4b:s4+s13], $0x80, s13, s13, $0xb8;
	[tilespmem:$0x1C800] =	vst v63  }
0xba: {  	_ =	swait.ge [sflag:s16], $0x4000  }
0xbb: {  	[sflag:s16] =	ssyncset.done $0x0  }
0xbc: {  	[sflag:s16] =	ssyncadd.s32 $0xFFFFC000  }
0xbd: {  	[spmem:s1] =	stream.indirect.scatter.add.f32 [tilespmem:s14], [sflag:$0x3], $0x80, s12, s13, $0xb8;
	[tilespmem:$0x1C800] =	vst v63  }
0xbe: {  	_ =	swait.ge [sflag:s17], $0x4000  }
0xbf: {  	[sflag:s17] =	ssyncset.done $0x0  }
0xc0: {  	[sflag:s17] =	ssyncadd.s32 $0xFFFFC000  }
0xc1: {  	[tilespmem:s14], [sflag:$0x1] =	stream.indirect.gather [hbm4b:s4+s13], $0x80, s18, s13, $0xb8;
	[tilespmem:$0x1C800] =	vst v63  }
0xc2: {  	_ =	swait.ge [sflag:s19], $0x4000  }
0xc3: {  	[sflag:s19] =	ssyncset.done $0x0  }
0xc4: {  	[sflag:s19] =	ssyncadd.s32 $0xFFFFC000  }
0xc5: {  	[spmem:s1] =	stream.indirect.scatter.add.f32 [tilespmem:s15], [sflag:$0x4], $0x80, s20, s13, $0xb8;
	[tilespmem:$0x1C800] =	vst v63  }
0xc6: {  	_ =	swait.ge [sflag:s21], $0x4000  }
0xc7: {  	[sflag:s21] =	ssyncset.done $0x0  }
0xc8: {  	[sflag:s21] =	ssyncadd.s32 $0xFFFFC000  }
0xc9: {  	[tilespmem:s15], [sflag:$0x2] =	stream.indirect.gather [hbm4b:s4+s13], $0x80, s22, s13, $0xb8;
	[tilespmem:$0x1C800] =	vst v63  }
0xca: {  	_ =	swait.ge [sflag:s16], $0x4000  }
0xcb: {  	[sflag:s16] =	ssyncset.done $0x0  }
0xcc: {  	[sflag:s16] =	ssyncadd.s32 $0xFFFFC000  }
0xcd: {  	[spmem:s1] =	stream.indirect.scatter.add.f32 [tilespmem:s14], [sflag:$0x3], $0x80, s23, s13, $0xb8;
	[tilespmem:$0x1C800] =	vst v63  }
0xce: {  	_ =	swait.ge [sflag:s17], $0x4000  }
0xcf: {  	[sflag:s17] =	ssyncset.done $0x0  }
0xd0: {  	[sflag:s17] =	ssyncadd.s32 $0xFFFFC000  }
0xd1: {  	[tilespmem:s14], [sflag:$0x1] =	stream.indirect.gather [hbm4b:s4+s13], $0x80, s24, s13, $0xb8;
	[tilespmem:$0x1C800] =	vst v63  }
0xd2: {  	_ =	swait.ge [sflag:s19], $0x4000  }
0xd3: {  	[sflag:s19] =	ssyncset.done $0x0  }
0xd4: {  	[sflag:s19] =	ssyncadd.s32 $0xFFFFC000  }
0xd5: {  	[spmem:s1] =	stream.indirect.scatter.add.f32 [tilespmem:s15], [sflag:$0x4], $0x80, s25, s13, $0xb8;
	[tilespmem:$0x1C800] =	vst v63  }
0xd6: {  	_ =	swait.ge [sflag:s21], $0x4000  }
0xd7: {  	[sflag:s21] =	ssyncset.done $0x0  }
0xd8: {  	[sflag:s21] =	ssyncadd.s32 $0xFFFFC000  }
0xd9: {  	[tilespmem:s15], [sflag:$0x2] =	stream.indirect.gather [hbm4b:s4+s13], $0x80, s26, s13, $0xb8;
	[tilespmem:$0x1C800] =	vst v63  }
0xda: {  	_ =	swait.ge [sflag:s16], $0x4000  }
0xdb: {  	[sflag:s16] =	ssyncset.done $0x0  }
0xdc: {  	[sflag:s16] =	ssyncadd.s32 $0xFFFFC000  }
0xdd: {  	[spmem:s1] =	stream.indirect.scatter.add.f32 [tilespmem:s14], [sflag:$0x3], $0x80, s28, s13, $0xb8;
	[tilespmem:$0x1C800] =	vst v63  }
0xde: {  	_ =	swait.ge [sflag:s17], $0x4000  }
0xdf: {  	[sflag:s17] =	ssyncset.done $0x0  }
0xe0: {  	[sflag:s17] =	ssyncadd.s32 $0xFFFFC000  }
0xe1: {  	[tilespmem:s14], [sflag:$0x1] =	stream.indirect.gather [hbm4b:s4+s13], $0x80, s29, s13, $0xb8;
	[tilespmem:$0x1C800] =	vst v63  }
0xe2: {  	_ =	swait.ge [sflag:s19], $0x4000  }
0xe3: {  	[sflag:s19] =	ssyncset.done $0x0  }
0xe4: {  	[sflag:s19] =	ssyncadd.s32 $0xFFFFC000  }
0xe5: {  	[spmem:s1] =	stream.indirect.scatter.add.f32 [tilespmem:s15], [sflag:$0x4], $0x80, s30, s13, $0xb8;
	[tilespmem:$0x1C800] =	vst v63  }
0xe6: {  	_ =	swait.ge [sflag:s21], $0x4000  }
0xe7: {  	[sflag:s21] =	ssyncset.done $0x0  }
0xe8: {  	[sflag:s21] =	ssyncadd.s32 $0xFFFFC000  }
0xe9: {  	[tilespmem:s15], [sflag:$0x2] =	stream.indirect.gather [hbm4b:s4+s13], $0x80, s31, s13, $0xb8;
	[tilespmem:$0x1C800] =	vst v63  }
0xea: {  	_ =	swait.ge [sflag:s16], $0x4000  }
0xeb: {  	[sflag:s16] =	ssyncset.done $0x0  }
0xec: {  	[sflag:s16] =	ssyncadd.s32 $0xFFFFC000  }
0xed: {  	[spmem:s1] =	stream.indirect.scatter.add.f32 [tilespmem:s14], [sflag:$0x3], $0x80, s0, s13, $0xb8;
	[tilespmem:$0x1C800] =	vst v63  }
0xee: {  	_ =	swait.ge [sflag:s19], $0x4000  }
0xef: {  	[sflag:s19] =	ssyncset.done $0x0  }
0xf0: {  	[sflag:s19] =	ssyncadd.s32 $0xFFFFC000  }
0xf1: {  	[spmem:s1] =	stream.indirect.scatter.add.f32 [tilespmem:s15], [sflag:$0x4], $0x80, s2, s13, $0xb8;
	[tilespmem:$0x1C800] =	vst v63  }
0xf2: {  	_ =	swait.ge [sflag:s17], $0x4000  }
0xf3: {  	[sflag:s17] =	ssyncset.done $0x0  }
0xf4: {  	[sflag:s17] =	ssyncadd.s32 $0xFFFFC000  }
0xf5: {  	_ =	swait.ge [sflag:s21], $0x4000  }
0xf6: {  	[sflag:s21] =	ssyncset.done $0x0  }
0xf7: {  	[sflag:s21] =	ssyncadd.s32 $0xFFFFC000  }
0xf8: {  	[bflag:$0x0] =	sbarrier.arrive $0xFFFF  }
0xf9: {  	s6 =	rddreg [dreg:$0x5]  }
0xfa: {  	s8 =	rddreg [dreg:$0x6]  }
0xfb: {  	s7 =	rddreg [dreg:$0x8]  }
0xfc: {  	[hbm:s8], [sflag:s6] =	dma.local [spmem:s7], $0x2800  }
0xfd: {  	_ =	swait.ge [sflag:s11], $0x2800  }
0xfe: {  	s8 =	rddreg [dreg:$0x9]  }
0xff: {  	s10 =	rddreg [dreg:$0x7];
	s8 =	sadd.s32 $0x1, s8  }
0x100: {  	p0 =	sne.s32 s8, s10  }
.Ltmp1:
0x101: {  	_ = 	snop;
	(pc) =	sbr.rel @p0 .LBB2_1-.Ltmp1, $3  }
0x102: {  	_ =	sdelay $0x1  }
0x103: {  	[sflag:s11] =	ssyncset.done $0x0  }
0x104: {  	[sflag:s11] =	ssyncadd.s32 $0xFFFFD800  }
0x105: {  	_ =	sfence.sel $0x180000  }
0x106: {  	[bflag:$0x0] =	sbarrier.arrive $0xFFFF  }
0x107: {  	_ =	strace $0x9000004A  }
0x108: {  	s0 =	stileid.u32;
	[bflag:$0x2] =	sbarrier.arrive $0xFFFF  }
0x109: {  	p0 =	sne.s32 s0, $0x0;
	s0 =	rddreg [dreg:$0x2]  }
0x10a: {  	s0 =	sadd.s32 @!p0 $0x100000, s0  }
0x10b: {  	[sflag:s0] =	ssyncadd.tile.s32 @!p0 $0x1;
	_ =	shalt  }
.Lfunc_end2:
_tile_overlayer_lowered:
.L_overlay_start_2:
0x10c: {  	(tag) =	ssettag $0x2  }
0x10d: {  	s0 =	rddreg [dreg:$0x0];
	s2 =	stileid.u32  }
0x10e: {  	s1 =	rddreg [dreg:$0x1];
	p0 =	sne.s32 s2, $0x0  }
0x10f: {  	s3 =	rddreg [dreg:$0x2];
	[bflag:$0x3] =	sbarrier.arrive $0xFFFF;
	s2 =	simm.s32 @!p0 $0x1C05  }
0x110: {  	[timem:s3], [sflag:s2] =	dma.local @!p0 [hbm:s0], s1  }
0x111: {  	s0 =	simm.s32 @!p0 $0x5  }
0x112: {  	_ =	swait.ge @!p0 [sflag:s0], s1  }
0x113: {  	s1 =	ssub.s32 @!p0 $0x0, s1;
	[sflag:s0] =	ssyncset.done @!p0 $0x0  }
0x114: {  	[sflag:s0] =	ssyncadd.s32 @!p0 s1  }
0x115: {  	[bflag:$0x3] =	sbarrier.arrive $0xFFFF  }
0x116: {  	_ =	shalt  }

// kernel: kernel.14.cloned.1.call-start
scs
__scs_entry_jumppad:
0x0: {  	(pc) =	sbr.rel $0x88, $3  }
0x1: {  	(tag) =	ssettag $0x0;
	lr =	simm.s32 $0x1  }
0x2: {  	[smem:$0x3F9B] =	sst lr;
	_ =	strace $0xD0000000  }
0x3: {  	_ = 	snop  }
0x4: {  	_ = 	snop  }
0x5: {  	_ = 	snop  }
0x6: {  	_ = 	snop  }
0x7: {  	_ = 	snop  }
__scs_overlays_trampoline_lowered:
0x8: {  	[smem:$0x3FAA] =	sst s0  }
0x9: {  	[smem:$0x3FAB] =	sst s1  }
0xa: {  	[smem:$0x3FAC] =	sst s2  }
0xb: {  	[smem:$0x3FAD] =	sst s3  }
0xc: {  	[smem:$0x3FAE] =	sst s4  }
0xd: {  	[smem:$0x3FAF] =	sst s5  }
0xe: {  	[smem:$0x3FB0] =	sst s6  }
0xf: {  	[smem:$0x3FB1] =	sst s7  }
0x10: {  	[smem:$0x3FB2] =	sst s8  }
0x11: {  	[smem:$0x3FB3] =	sst s9;
	s0 =	simm.s32 @!p0 $0x0  }
0x12: {  	s1 =	sld [smem:$0x3F99];
	s0 =	simm.s32 @p0 $0x1  }
0x13: {  	[smem:$0x3FB4] =	sst s0;
	s0 =	simm.s32 @!p1 $0x0  }
0x14: {  	s2 =	sld [smem:$0x3F98];
	s0 =	simm.s32 @p1 $0x1  }
0x15: {  	[smem:$0x3FB5] =	sst s0;
	s0 =	simm.s32 @!p2 $0x0  }
0x16: {  	s3 =	sld [smem:$0x3FDB];
	s0 =	simm.s32 @p2 $0x1  }
0x17: {  	s4 =	simm.s32 $0x1BF5;
	[smem:$0x3FB7] =	sst s0  }
0x18: {  	s0 =	sld [smem:$0x3F9A];
	_ =	swait.ge [sflag:s4], $0x0  }
0x19: {  	s7 =	sld [smem:$0x3F9B]  }
0x1a: {  	s8 =	sadd.s32 $0xFFFFE003, lr  }
0x1b: {  	s9 =	sadd.s32 $0xFFFFFEF7, lr;
	s5 =	simm.s32 $0xFFFFFFFF;
	p2 =	slt.u32 s8, $0xFFFFF086  }
0x1c: {  	p1 =	slt.u32 s9, $0xF7A;
	s5 =	simm.s32 @!p2 $0x0  }
0x1d: {  	s5 =	simm.s32 @p1 $0x1;
	p0 =	seq.s32 s7, s2  }
0x1e: {  	s7 =	smul.u32 @!p0 $0xF7A, s2;
	p2 =	seq.s32 @!p0 s5, $0x0  }
0x1f: {  	s9 =	smul.u32 $0xF7A, s1;
	s8 =	simm.s32 @!p0 $0x1BF5;
	p2 =	por !p2, p0  }
0x20: {  	[sflag:s8] =	ssyncset.s32 @!p0 $0xFFFFF086;
	s6 =	sadd.s32 @!p0 s3, s7;
	s7 =	simm.s32 @!p0 $0x108  }
0x21: {  	s3 =	sadd.s32 s3, s9;
	s6 =	sadd.s32 @!p0 $0x88, s6;
	s7 =	simm.s32 @p2 $0x1082  }
0x22: {  	[simem:s7], [sflag:s8] =	dma.local @!p0 [hbm:s6], $0xF7A  }
0x23: {  	s9 =	sor.u32 $0xD0000000, s2;
	s6 =	simm.s32 $0x108;
	_ =	swait.ge @!p0 [sflag:s8], $0x0  }
0x24: {  	s3 =	sadd.s32 $0x88, s3;
	s6 =	simm.s32 @!p1 $0x1082;
	[sflag:s4] =	ssyncset.s32 $0xFFFFF086  }
0x25: {  	[simem:s6], [sflag:s4] =	dma.local [hbm:s3], $0xF7A  }
0x26: {  	[smem:$0x3F9B] =	sst s1;
	(tag) =	ssettag s2;
	_ =	strace s9  }
0x27: {  	s1 =	sld [smem:$0x3FAB]  }
0x28: {  	s2 =	sld [smem:$0x3FAC]  }
0x29: {  	s4 =	sld [smem:$0x3FAE]  }
0x2a: {  	p0 =	seq.s32 s5, $0x0;
	s5 =	sld [smem:$0x3FAF]  }
0x2b: {  	s6 =	sld [smem:$0x3FB0]  }
0x2c: {  	s7 =	sld [smem:$0x3FB1]  }
0x2d: {  	s3 =	simm.s32 $0x108;
	s8 =	sld [smem:$0x3FB2]  }
0x2e: {  	s3 =	simm.s32 @!p0 $0x1082;
	s9 =	sld [smem:$0x3FB3]  }
0x2f: {  	lr =	sadd.s32 s0, s3;
	s0 =	sld [smem:$0x3FAA]  }
0x30: {  	s3 =	sld [smem:$0x3FAD]  }
0x31: {  	[smem:$0x3FB6] =	sst s10  }
0x32: {  	s10 =	sld [smem:$0x3FB4];
	_ =	sdelay $0x3  }
0x33: {  	p0 =	seq.s32 s10, $0x1;
	s10 =	sld [smem:$0x3FB6];
	_ =	sdelay $0x3  }
0x34: {  	[smem:$0x3FB6] =	sst s10  }
0x35: {  	s10 =	sld [smem:$0x3FB5];
	_ =	sdelay $0x3  }
0x36: {  	p1 =	seq.s32 s10, $0x1;
	s10 =	sld [smem:$0x3FB6];
	_ =	sdelay $0x3  }
0x37: {  	[smem:$0x3FB6] =	sst s10  }
0x38: {  	s10 =	sld [smem:$0x3FB7]  }
0x39: {  	_ = 	snop;
	(pc) =	sbr.ind lr, $3  }
0x3a: {  	_ = 	snop  }
0x3b: {  	_ = 	snop  }
0x3c: {  	p2 =	seq.s32 s10, $0x1;
	s10 =	sld [smem:$0x3FB6]  }
0x3d: {  	_ =	shalt  }
0x3e: {  	_ =	shalt  }
0x3f: {  	_ =	shalt  }
0x40: {  	_ =	shalt  }
0x41: {  	_ =	shalt  }
0x42: {  	_ =	shalt  }
0x43: {  	_ =	shalt  }
0x44: {  	_ =	shalt  }
0x45: {  	_ =	shalt  }
0x46: {  	_ =	shalt  }
0x47: {  	_ =	shalt  }
0x48: {  	_ =	shalt  }
0x49: {  	_ =	shalt  }
0x4a: {  	_ =	shalt  }
0x4b: {  	_ =	shalt  }
0x4c: {  	_ =	shalt  }
0x4d: {  	_ =	shalt  }
0x4e: {  	_ =	shalt  }
0x4f: {  	_ =	shalt  }
0x50: {  	_ =	shalt  }
0x51: {  	_ =	shalt  }
0x52: {  	_ =	shalt  }
0x53: {  	_ =	shalt  }
0x54: {  	_ =	shalt  }
0x55: {  	_ =	shalt  }
0x56: {  	_ =	shalt  }
0x57: {  	_ =	shalt  }
0x58: {  	_ =	shalt  }
0x59: {  	_ =	shalt  }
0x5a: {  	_ =	shalt  }
0x5b: {  	_ =	shalt  }
0x5c: {  	_ =	shalt  }
0x5d: {  	_ =	shalt  }
0x5e: {  	_ =	shalt  }
0x5f: {  	_ =	shalt  }
0x60: {  	_ =	shalt  }
0x61: {  	_ =	shalt  }
0x62: {  	_ =	shalt  }
0x63: {  	_ =	shalt  }
0x64: {  	_ =	shalt  }
0x65: {  	_ =	shalt  }
0x66: {  	_ =	shalt  }
0x67: {  	_ =	shalt  }
0x68: {  	_ =	shalt  }
0x69: {  	_ =	shalt  }
0x6a: {  	_ =	shalt  }
0x6b: {  	_ =	shalt  }
0x6c: {  	_ =	shalt  }
0x6d: {  	_ =	shalt  }
0x6e: {  	_ =	shalt  }
0x6f: {  	_ =	shalt  }
0x70: {  	_ =	shalt  }
0x71: {  	_ =	shalt  }
0x72: {  	_ =	shalt  }
0x73: {  	_ =	shalt  }
0x74: {  	_ =	shalt  }
0x75: {  	_ =	shalt  }
0x76: {  	_ =	shalt  }
0x77: {  	_ =	shalt  }
0x78: {  	_ =	shalt  }
0x79: {  	_ =	shalt  }
0x7a: {  	_ =	shalt  }
0x7b: {  	_ =	shalt  }
0x7c: {  	_ =	shalt  }
0x7d: {  	_ =	shalt  }
0x7e: {  	_ =	shalt  }
0x7f: {  	_ =	shalt  }
0x80: {  	_ =	shalt  }
0x81: {  	_ =	shalt  }
0x82: {  	_ =	shalt  }
0x83: {  	_ =	shalt  }
0x84: {  	_ =	shalt  }
0x85: {  	_ =	shalt  }
0x86: {  	_ =	shalt  }
0x87: {  	_ =	shalt  }
.Lfunc_end0:
.L_simem_size_0:
called_computation.2_lowered:
.L_overlay_start_0:
0x88: {  	s2 =	sld [smem:$0x3FD9]  }
0x89: {  	s3 =	sld [smem:$0x3FFE];
	_ =	sdelay $0x1  }
0x8a: {  	s1 =	srdreg.scid  }
0x8b: {  	s0 =	sand.u32 $0x1, s1  }
0x8c: {  	s16 =	sshll.u32 s0, $0xA;
	s2 =	sadd.s32 s3, s2  }
0x8d: {  	s2 =	sadd.s32 s2, s16  }
0x8e: {  	[smem:$0x3FC2] =	sst s2  }
0x8f: {  	_ = 	snop  }
0x90: {  	(tm) =	ssettm $0x1  }
0x91: {  	s17 =	sld [smem:$0x3FFB];
	_ =	sdelay $0x3  }
0x92: {  	_ =	strace s17  }
0x93: {  	s2 =	sld [smem:$0x3FFC];
	_ =	sdelay $0x3  }
0x94: {  	_ =	strace s2  }
0x95: {  	s2 =	sld [smem:$0x3FFD];
	_ =	sdelay $0x3  }
0x96: {  	_ =	strace s2  }
0x97: {  	_ =	strace $0x8FFFFFFF  }
0x98: {  	s18 =	sld [smem:$0x3FDB];
	_ =	sdelay $0x1  }
0x99: {  	s19 =	simm.s32 $_scs_section_size  }
0x9a: {  	s4 =	simm.s32 $_size__tile_overlayer_lowered;
	s5 =	simm.s32 $_tile_overlayer_lowered  }
0x9b: {  	s22 =	simm.s32 $0x1BFF;
	s21 =	sshll.u32 s5, $0x1;
	s2 =	sadd.s32 s19, s18  }
0x9c: {  	s6 =	simm.s32 $0x0;
	s20 =	sshll.u32 s4, $0x1;
	s4 =	sadd.s32 s21, s2  }
0x9d: {  	[timem:s6], [sflag:s22] =	dma.local [hbm:s4], s20  }
0x9e: {  	_ =	swait.ge [sflag:s22], s20  }
0x9f: {  	s3 =	ssub.s32 $0x0, s20;
	[sflag:s22] =	ssyncset.done $0x0  }
0xa0: {  	[sflag:s22] =	ssyncadd.s32 s3;
	_ =	sdelay $0x1  }
0xa1: {  	s23 =	simm.s32 $0x1B8B  }
0xa2: {  	_ =	swait.ge [sflag:s23], $0x1  }
0xa3: {  	[sflag:s23] =	ssyncset.done $0x0  }
0xa4: {  	s25 =	simm.s32 $0x1B8E;
	s24 =	sld [smem:$0x3FFE];
	[sflag:s23] =	ssyncadd.s32 $0xFFFFFFFF  }
0xa5: {  	s26 =	simm.s32 $execute0_lowered;
	[smem:$0x3FD2] =	sst s25  }
0xa6: {  	s4 =	sshll.u32 s26, $0x1;
	_ =	strace $0x8000004C;
	[dreg:$0x1] =	wrdreg $0xFFFFFFFF  }
0xa7: {  	s28 =	simm.s32 $_size_execute0_lowered;
	s2 =	sadd.s32 s2, s4;
	[dreg:$0x0] =	wrdreg $0x0  }
0xa8: {  	s4 =	sshll.u32 s28, $0x1;
	[dreg:$0x2] =	wrdreg s2  }
0xa9: {  	[dreg:$0x3] =	wrdreg s4  }
0xaa: {  	[dreg:$0x4] =	wrdreg $0xC0  }
0xab: {  	_ =	task [dreg:s6], $0x5FFFF  }
0xac: {  	[dreg:$0x1] =	wrdreg $0xFFFFFFFF  }
0xad: {  	[dreg:$0x0] =	wrdreg $0x60  }
0xae: {  	[dreg:$0x2] =	wrdreg s24  }
0xaf: {  	[dreg:$0x3] =	wrdreg $0x88000  }
0xb0: {  	[dreg:$0x4] =	wrdreg $0x9  }
0xb1: {  	_ =	task.clear_ibuf [dreg:s6], $0x5FFFF;
	_ =	strace $0x9000004C  }
0xb2: {  	s29 =	simm.s32 $0x9;
	_ =	strace $0x8000004E  }
0xb3: {  	_ =	swait.ge [sflag:s29], $0x1  }
0xb4: {  	[sflag:s29] =	ssyncadd.s32 $0xFFFFFFFF  }
0xb5: {  	_ =	strace $0x9000004E  }
0xb6: {  	_ =	sfence  }
0xb7: {  	s30 =	sld [smem:$0x0];
	_ =	sdelay $0x2  }
0xb8: {  	s31 =	sshll.u32 s1, $0xD;
	s1 =	sshrl.u32 s1, $0x2  }
0xb9: {  	s3 =	sand.u32 $0x4000, s31;
	s1 =	sadd.s32 s1, s30  }
0xba: {  	s0 =	sor.u32 s3, s0;
	s1 =	sshll.u32 s1, $0x11  }
0xbb: {  	s0 =	sor.u32 s1, s0  }
0xbc: {  	s0 =	sadd.s32 $0x8F2B, s0  }
0xbd: {  	[sflag:s0] =	ssyncadd.remote.s32 $0x1  }
0xbe: {  	_ =	sfence.sel $0xFFFF  }
0xbf: {  	[dreg:$0x0] =	wrdreg $0xFFFFFFFF;
	(pc) =	sbr.abs _section_cstart, $3  }
0xc0: {  	[dreg:$0x1] =	wrdreg $0xFFFFFFFF  }
0xc1: {  	_ =	task.clear_ibuf [dreg:s6], $0x2FFFF;
	_ =	strace $0x9FFFFFFF  }
0xc2: {  	(tm) =	ssettm $0x7FFFFFFF  }
0xc3: {  	_ =	shalt  }
tec
execute0_lowered:
.L_overlay_start_1:
0x0: {  	(tag) =	ssettag $0x1  }
0x1: {  	s0 =	rddreg [dreg:$0x0]  }
0x2: {  	s1 =	rddreg [dreg:$0x1];
	s2 =	srdreg.scid;
	s3 =	simm.s32 $0x0  }
0x3: {  	s11 =	stileid.u32;
	s12 =	simm.s32 $0x400;
	s13 =	simm.s32 $0x80  }
0x4: {  	s14 =	simm.s32 $0x800;
	s15 =	simm.s32 $0x4800;
	s16 =	simm.s32 $0x1  }
0x5: {  	s17 =	simm.s32 $0x3;
	s18 =	simm.s32 $0x100;
	s19 =	simm.s32 $0x2  }
0x6: {  	s20 =	simm.s32 $0x480;
	s21 =	simm.s32 $0x4;
	s28 =	simm.s32 $0x600  }
0x7: {  	s29 =	simm.s32 $0x300;
	s30 =	simm.s32 $0x680;
	s5 =	smul.u32 $0x2800, s11  }
0x8: {  	s31 =	simm.s32 $0x380;
	s2 =	sand.u32 $0x1, s2;
	s8 =	smul.u32 $0x50000, s11  }
0x9: {  	[smem:$0x7FF] =	sst s3;
	s10 =	smul.u32 $0x500, s11;
	s25 =	sshll.u32 s11, $0x6  }
0xa: {  	s11 =	simm.s32 $0x5;
	s4 =	smul.u32 $0x5000, s2;
	_ =	strace $0x8000004D  }
0xb: {  	s6 =	smul.u32 $0x28000, s2;
	s2 =	ssub.s32 $0x2, s2;
	s9 =	sadd.s32 s5, s0  }
0xc: {  	s22 =	sshrl.u32 s2, $0x1;
	s8 =	sshrl.u32 s8, $0x2;
	s7 =	sadd.s32 s4, s0  }
0xd: {  	s4 =	sadd.s32 $0x3EE00, s0;
	s5 =	sadd.s32 s5, s6;
	s2 =	ssub.s32 s2, s22  }
0xe: {  	s23 =	sadd.s32 s8, s1;
	s24 =	sadd.s32 $0x16E00, s9;
	s6 =	sor.u32 $0x1C05, s25  }
0xf: {  	s22 =	simm.s32 $0x180;
	s25 =	simm.s32 $0x580;
	s8 =	simm.s32 $0x0  }
0x10: {  	s0 =	sadd.s32 s5, s0;
	[dreg:$0x4] =	wrdreg s24;
	s7 =	sadd.s32 s10, s7  }
0x11: {  	s2 =	smax.u32 s2, $0x1;
	s24 =	simm.s32 $0x200;
	[dreg:$0x5] =	wrdreg s6  }
0x12: {  	s0 =	sadd.s32 $0x66E00, s0;
	s26 =	sadd.s32 $0xC600, s7;
	[dreg:$0x7] =	wrdreg s2  }
0x13: {  	s9 =	sadd.s32 $0x2600, s7;
	s7 =	sshrl.u32 s23, $0x3;
	[dreg:$0x6] =	wrdreg s0  }
0x14: {  	s23 =	simm.s32 $0x500;
	s2 =	simm.s32 $0x780;
	[dreg:$0x3] =	wrdreg s26  }
0x15: {  	s26 =	simm.s32 $0x280;
	s0 =	simm.s32 $0x700;
	[dreg:$0x8] =	wrdreg s7  }
.LBB2_1:
0x16: {  	[dreg:$0x9] =	wrdreg s8  }
0x17: {  	s5 =	rddreg [dreg:$0x4]  }
0x18: {  	[spmem:s7], [sflag:s6] =	dma.local [hbm:s5], $0x2800  }
0x19: {  	_ =	swait.ge [sflag:s11], $0x2800  }
0x1a: {  	[sflag:s11] =	ssyncset.done $0x0  }
0x1b: {  	[sflag:s11] =	ssyncadd.s32 $0xFFFFD800  }
0x1c: {  	s8 =	sadd.s32 $0x0, s9;
	[bflag:$0x0] =	sbarrier.arrive $0xFFFF  }
0x1d: {  	[tilespmem:s3], [sflag:$0x5] =	stream.linear.gather [hbm4b:s8+s3], $0x400, $0x38;
	[tilespmem:$0x1C800] =	vst v63  }
0x1e: {  	_ =	swait.ge [sflag:s11], $0x400  }
0x1f: {  	s10 =	rddreg [dreg:$0x3];
	[sflag:s11] =	ssyncset.done $0x0  }
0x20: {  	[sflag:s11] =	ssyncadd.s32 $0xFFFFFC00;
	s6 =	sadd.s32 $0x0, s10  }
0x21: {  	[tilespmem:s12], [sflag:$0x5] =	stream.linear.gather [hbm4b:s6+s3], $0x400, $0x38;
	[tilespmem:$0x1C800] =	vst v63  }
0x22: {  	_ =	swait.ge [sflag:s11], $0x400  }
0x23: {  	[sflag:s11] =	ssyncset.done $0x0  }
0x24: {  	[sflag:s11] =	ssyncadd.s32 $0xFFFFFC00  }
0x25: {  	[tilespmem:s14], [sflag:$0x1] =	stream.indirect.gather [hbm4b:s4+s13], $0x80, s3, s13, $0xb8;
	[tilespmem:$0x1C800] =	vst v63  }
0x26: {  	_ = 	snop  }
0x27: {  	[tilespmem:s15], [sflag:$0x2] =	stream.indirect.gather [hbm4b:s4+s13], $0x80, s13, s13, $0xb8;
	[tilespmem:$0x1C800] =	vst v63  }
0x28: {  	_ =	swait.ge [sflag:s16], $0x4000  }
0x29: {  	[sflag:s16] =	ssyncset.done $0x0  }
0x2a: {  	[sflag:s16] =	ssyncadd.s32 $0xFFFFC000  }
0x2b: {  	[spmem:s1] =	stream.indirect.scatter.add.f32 [tilespmem:s14], [sflag:$0x3], $0x80, s12, s13, $0xb8;
	[tilespmem:$0x1C800] =	vst v63  }
0x2c: {  	_ =	swait.ge [sflag:s17], $0x4000  }
0x2d: {  	[sflag:s17] =	ssyncset.done $0x0  }
0x2e: {  	[sflag:s17] =	ssyncadd.s32 $0xFFFFC000  }
0x2f: {  	[tilespmem:s14], [sflag:$0x1] =	stream.indirect.gather [hbm4b:s4+s13], $0x80, s18, s13, $0xb8;
	[tilespmem:$0x1C800] =	vst v63  }
0x30: {  	_ =	swait.ge [sflag:s19], $0x4000  }
0x31: {  	[sflag:s19] =	ssyncset.done $0x0  }
0x32: {  	[sflag:s19] =	ssyncadd.s32 $0xFFFFC000  }
0x33: {  	[spmem:s1] =	stream.indirect.scatter.add.f32 [tilespmem:s15], [sflag:$0x4], $0x80, s20, s13, $0xb8;
	[tilespmem:$0x1C800] =	vst v63  }
0x34: {  	_ =	swait.ge [sflag:s21], $0x4000  }
0x35: {  	[sflag:s21] =	ssyncset.done $0x0  }
0x36: {  	[sflag:s21] =	ssyncadd.s32 $0xFFFFC000  }
0x37: {  	[tilespmem:s15], [sflag:$0x2] =	stream.indirect.gather [hbm4b:s4+s13], $0x80, s22, s13, $0xb8;
	[tilespmem:$0x1C800] =	vst v63  }
0x38: {  	_ =	swait.ge [sflag:s16], $0x4000  }
0x39: {  	[sflag:s16] =	ssyncset.done $0x0  }
0x3a: {  	[sflag:s16] =	ssyncadd.s32 $0xFFFFC000  }
0x3b: {  	[spmem:s1] =	stream.indirect.scatter.add.f32 [tilespmem:s14], [sflag:$0x3], $0x80, s23, s13, $0xb8;
	[tilespmem:$0x1C800] =	vst v63  }
0x3c: {  	_ =	swait.ge [sflag:s17], $0x4000  }
0x3d: {  	[sflag:s17] =	ssyncset.done $0x0  }
0x3e: {  	[sflag:s17] =	ssyncadd.s32 $0xFFFFC000  }
0x3f: {  	[tilespmem:s14], [sflag:$0x1] =	stream.indirect.gather [hbm4b:s4+s13], $0x80, s24, s13, $0xb8;
	[tilespmem:$0x1C800] =	vst v63  }
0x40: {  	_ =	swait.ge [sflag:s19], $0x4000  }
0x41: {  	[sflag:s19] =	ssyncset.done $0x0  }
0x42: {  	[sflag:s19] =	ssyncadd.s32 $0xFFFFC000  }
0x43: {  	[spmem:s1] =	stream.indirect.scatter.add.f32 [tilespmem:s15], [sflag:$0x4], $0x80, s25, s13, $0xb8;
	[tilespmem:$0x1C800] =	vst v63  }
0x44: {  	_ =	swait.ge [sflag:s21], $0x4000  }
0x45: {  	[sflag:s21] =	ssyncset.done $0x0  }
0x46: {  	[sflag:s21] =	ssyncadd.s32 $0xFFFFC000  }
0x47: {  	[tilespmem:s15], [sflag:$0x2] =	stream.indirect.gather [hbm4b:s4+s13], $0x80, s26, s13, $0xb8;
	[tilespmem:$0x1C800] =	vst v63  }
0x48: {  	_ =	swait.ge [sflag:s16], $0x4000  }
0x49: {  	[sflag:s16] =	ssyncset.done $0x0  }
0x4a: {  	[sflag:s16] =	ssyncadd.s32 $0xFFFFC000  }
0x4b: {  	[spmem:s1] =	stream.indirect.scatter.add.f32 [tilespmem:s14], [sflag:$0x3], $0x80, s28, s13, $0xb8;
	[tilespmem:$0x1C800] =	vst v63  }
0x4c: {  	_ =	swait.ge [sflag:s17], $0x4000  }
0x4d: {  	[sflag:s17] =	ssyncset.done $0x0  }
0x4e: {  	[sflag:s17] =	ssyncadd.s32 $0xFFFFC000  }
0x4f: {  	[tilespmem:s14], [sflag:$0x1] =	stream.indirect.gather [hbm4b:s4+s13], $0x80, s29, s13, $0xb8;
	[tilespmem:$0x1C800] =	vst v63  }
0x50: {  	_ =	swait.ge [sflag:s19], $0x4000  }
0x51: {  	[sflag:s19] =	ssyncset.done $0x0  }
0x52: {  	[sflag:s19] =	ssyncadd.s32 $0xFFFFC000  }
0x53: {  	[spmem:s1] =	stream.indirect.scatter.add.f32 [tilespmem:s15], [sflag:$0x4], $0x80, s30, s13, $0xb8;
	[tilespmem:$0x1C800] =	vst v63  }
0x54: {  	_ =	swait.ge [sflag:s21], $0x4000  }
0x55: {  	[sflag:s21] =	ssyncset.done $0x0  }
0x56: {  	[sflag:s21] =	ssyncadd.s32 $0xFFFFC000  }
0x57: {  	[tilespmem:s15], [sflag:$0x2] =	stream.indirect.gather [hbm4b:s4+s13], $0x80, s31, s13, $0xb8;
	[tilespmem:$0x1C800] =	vst v63  }
0x58: {  	_ =	swait.ge [sflag:s16], $0x4000  }
0x59: {  	[sflag:s16] =	ssyncset.done $0x0  }
0x5a: {  	[sflag:s16] =	ssyncadd.s32 $0xFFFFC000  }
0x5b: {  	[spmem:s1] =	stream.indirect.scatter.add.f32 [tilespmem:s14], [sflag:$0x3], $0x80, s0, s13, $0xb8;
	[tilespmem:$0x1C800] =	vst v63  }
0x5c: {  	_ =	swait.ge [sflag:s19], $0x4000  }
0x5d: {  	[sflag:s19] =	ssyncset.done $0x0  }
0x5e: {  	[sflag:s19] =	ssyncadd.s32 $0xFFFFC000  }
0x5f: {  	[spmem:s1] =	stream.indirect.scatter.add.f32 [tilespmem:s15], [sflag:$0x4], $0x80, s2, s13, $0xb8;
	[tilespmem:$0x1C800] =	vst v63  }
0x60: {  	_ =	swait.ge [sflag:s17], $0x4000  }
0x61: {  	[sflag:s17] =	ssyncset.done $0x0  }
0x62: {  	[sflag:s17] =	ssyncadd.s32 $0xFFFFC000  }
0x63: {  	_ =	swait.ge [sflag:s21], $0x4000  }
0x64: {  	s7 =	simm.s32 $0x80;
	s8 =	simm.s32 $0x100;
	[sflag:s21] =	ssyncset.done $0x0  }
.LBB2_2:
0x65: {  	s10 =	sadd.s32 s7, s9;
	[sflag:s21] =	ssyncadd.s32 $0xFFFFC000  }
0x66: {  	[tilespmem:s3], [sflag:$0x5] =	stream.linear.gather [hbm4b:s10+s3], $0x400, $0x38;
	[tilespmem:$0x1C800] =	vst v63  }
0x67: {  	s5 =	smov.u32 s8;
	_ =	swait.ge [sflag:s11], $0x400  }
0x68: {  	s6 =	sadd.s32 $0x80, s8;
	s10 =	rddreg [dreg:$0x3];
	[sflag:s11] =	ssyncset.done $0x0  }
0x69: {  	p0 =	sne.s32 s8, $0x480;
	[sflag:s11] =	ssyncadd.s32 $0xFFFFFC00;
	s8 =	sadd.s32 s7, s10  }
0x6a: {  	[tilespmem:s12], [sflag:$0x5] =	stream.linear.gather [hbm4b:s8+s3], $0x400, $0x38;
	[tilespmem:$0x1C800] =	vst v63  }
0x6b: {  	_ =	swait.ge [sflag:s11], $0x400  }
0x6c: {  	[sflag:s11] =	ssyncset.done $0x0  }
0x6d: {  	[sflag:s11] =	ssyncadd.s32 $0xFFFFFC00  }
0x6e: {  	[tilespmem:s14], [sflag:$0x1] =	stream.indirect.gather [hbm4b:s4+s13], $0x80, s3, s13, $0xb8;
	[tilespmem:$0x1C800] =	vst v63  }
0x6f: {  	_ = 	snop  }
0x70: {  	[tilespmem:s15], [sflag:$0x2] =	stream.indirect.gather [hbm4b:s4+s13], $0x80, s13, s13, $0xb8;
	[tilespmem:$0x1C800] =	vst v63  }
0x71: {  	_ =	swait.ge [sflag:s16], $0x4000  }
0x72: {  	[sflag:s16] =	ssyncset.done $0x0  }
0x73: {  	[sflag:s16] =	ssyncadd.s32 $0xFFFFC000  }
0x74: {  	[spmem:s1] =	stream.indirect.scatter.add.f32 [tilespmem:s14], [sflag:$0x3], $0x80, s12, s13, $0xb8;
	[tilespmem:$0x1C800] =	vst v63  }
0x75: {  	_ =	swait.ge [sflag:s17], $0x4000  }
0x76: {  	[sflag:s17] =	ssyncset.done $0x0  }
0x77: {  	[sflag:s17] =	ssyncadd.s32 $0xFFFFC000  }
0x78: {  	[tilespmem:s14], [sflag:$0x1] =	stream.indirect.gather [hbm4b:s4+s13], $0x80, s18, s13, $0xb8;
	[tilespmem:$0x1C800] =	vst v63  }
0x79: {  	_ =	swait.ge [sflag:s19], $0x4000  }
0x7a: {  	[sflag:s19] =	ssyncset.done $0x0  }
0x7b: {  	[sflag:s19] =	ssyncadd.s32 $0xFFFFC000  }
0x7c: {  	[spmem:s1] =	stream.indirect.scatter.add.f32 [tilespmem:s15], [sflag:$0x4], $0x80, s20, s13, $0xb8;
	[tilespmem:$0x1C800] =	vst v63  }
0x7d: {  	_ =	swait.ge [sflag:s21], $0x4000  }
0x7e: {  	[sflag:s21] =	ssyncset.done $0x0  }
0x7f: {  	[sflag:s21] =	ssyncadd.s32 $0xFFFFC000  }
0x80: {  	[tilespmem:s15], [sflag:$0x2] =	stream.indirect.gather [hbm4b:s4+s13], $0x80, s22, s13, $0xb8;
	[tilespmem:$0x1C800] =	vst v63  }
0x81: {  	_ =	swait.ge [sflag:s16], $0x4000  }
0x82: {  	[sflag:s16] =	ssyncset.done $0x0  }
0x83: {  	[sflag:s16] =	ssyncadd.s32 $0xFFFFC000  }
0x84: {  	[spmem:s1] =	stream.indirect.scatter.add.f32 [tilespmem:s14], [sflag:$0x3], $0x80, s23, s13, $0xb8;
	[tilespmem:$0x1C800] =	vst v63  }
0x85: {  	_ =	swait.ge [sflag:s17], $0x4000  }
0x86: {  	[sflag:s17] =	ssyncset.done $0x0  }
0x87: {  	[sflag:s17] =	ssyncadd.s32 $0xFFFFC000  }
0x88: {  	[tilespmem:s14], [sflag:$0x1] =	stream.indirect.gather [hbm4b:s4+s13], $0x80, s24, s13, $0xb8;
	[tilespmem:$0x1C800] =	vst v63  }
0x89: {  	_ =	swait.ge [sflag:s19], $0x4000  }
0x8a: {  	[sflag:s19] =	ssyncset.done $0x0  }
0x8b: {  	[sflag:s19] =	ssyncadd.s32 $0xFFFFC000  }
0x8c: {  	[spmem:s1] =	stream.indirect.scatter.add.f32 [tilespmem:s15], [sflag:$0x4], $0x80, s25, s13, $0xb8;
	[tilespmem:$0x1C800] =	vst v63  }
0x8d: {  	_ =	swait.ge [sflag:s21], $0x4000  }
0x8e: {  	[sflag:s21] =	ssyncset.done $0x0  }
0x8f: {  	[sflag:s21] =	ssyncadd.s32 $0xFFFFC000  }
0x90: {  	[tilespmem:s15], [sflag:$0x2] =	stream.indirect.gather [hbm4b:s4+s13], $0x80, s26, s13, $0xb8;
	[tilespmem:$0x1C800] =	vst v63  }
0x91: {  	_ =	swait.ge [sflag:s16], $0x4000  }
0x92: {  	[sflag:s16] =	ssyncset.done $0x0  }
0x93: {  	[sflag:s16] =	ssyncadd.s32 $0xFFFFC000  }
0x94: {  	[spmem:s1] =	stream.indirect.scatter.add.f32 [tilespmem:s14], [sflag:$0x3], $0x80, s28, s13, $0xb8;
	[tilespmem:$0x1C800] =	vst v63  }
0x95: {  	_ =	swait.ge [sflag:s17], $0x4000  }
0x96: {  	[sflag:s17] =	ssyncset.done $0x0  }
0x97: {  	[sflag:s17] =	ssyncadd.s32 $0xFFFFC000  }
0x98: {  	[tilespmem:s14], [sflag:$0x1] =	stream.indirect.gather [hbm4b:s4+s13], $0x80, s29, s13, $0xb8;
	[tilespmem:$0x1C800] =	vst v63  }
0x99: {  	_ =	swait.ge [sflag:s19], $0x4000  }
0x9a: {  	[sflag:s19] =	ssyncset.done $0x0  }
0x9b: {  	[sflag:s19] =	ssyncadd.s32 $0xFFFFC000  }
0x9c: {  	[spmem:s1] =	stream.indirect.scatter.add.f32 [tilespmem:s15], [sflag:$0x4], $0x80, s30, s13, $0xb8;
	[tilespmem:$0x1C800] =	vst v63  }
0x9d: {  	_ =	swait.ge [sflag:s21], $0x4000  }
0x9e: {  	[sflag:s21] =	ssyncset.done $0x0  }
0x9f: {  	[sflag:s21] =	ssyncadd.s32 $0xFFFFC000  }
0xa0: {  	[tilespmem:s15], [sflag:$0x2] =	stream.indirect.gather [hbm4b:s4+s13], $0x80, s31, s13, $0xb8;
	[tilespmem:$0x1C800] =	vst v63  }
0xa1: {  	_ =	swait.ge [sflag:s16], $0x4000  }
0xa2: {  	[sflag:s16] =	ssyncset.done $0x0  }
0xa3: {  	[sflag:s16] =	ssyncadd.s32 $0xFFFFC000  }
0xa4: {  	[spmem:s1] =	stream.indirect.scatter.add.f32 [tilespmem:s14], [sflag:$0x3], $0x80, s0, s13, $0xb8;
	[tilespmem:$0x1C800] =	vst v63  }
0xa5: {  	_ =	swait.ge [sflag:s19], $0x4000  }
0xa6: {  	[sflag:s19] =	ssyncset.done $0x0  }
0xa7: {  	[sflag:s19] =	ssyncadd.s32 $0xFFFFC000  }
0xa8: {  	[spmem:s1] =	stream.indirect.scatter.add.f32 [tilespmem:s15], [sflag:$0x4], $0x80, s2, s13, $0xb8;
	[tilespmem:$0x1C800] =	vst v63  }
.Ltmp0:
0xa9: {  	_ =	swait.ge [sflag:s17], $0x4000;
	(pc) =	sbr.rel @p0 .LBB2_2-.Ltmp0, $4  }
0xaa: {  	[sflag:s17] =	ssyncset.done $0x0  }
0xab: {  	[sflag:s17] =	ssyncadd.s32 $0xFFFFC000  }
0xac: {  	_ =	swait.ge [sflag:s21], $0x4000  }
0xad: {  	s7 =	smov.u32 s5;
	s8 =	smov.u32 s6;
	[sflag:s21] =	ssyncset.done $0x0  }
0xae: {  	s5 =	sadd.s32 s7, s9;
	[sflag:s21] =	ssyncadd.s32 $0xFFFFC000  }
0xaf: {  	[tilespmem:s3], [sflag:$0x5] =	stream.linear.gather [hbm4b:s5+s3], $0x400, $0x38;
	[tilespmem:$0x1C800] =	vst v63  }
0xb0: {  	_ =	swait.ge [sflag:s11], $0x400  }
0xb1: {  	s6 =	rddreg [dreg:$0x3];
	[sflag:s11] =	ssyncset.done $0x0  }
0xb2: {  	s5 =	sadd.s32 s7, s6;
	[sflag:s11] =	ssyncadd.s32 $0xFFFFFC00  }
0xb3: {  	[tilespmem:s12], [sflag:$0x5] =	stream.linear.gather [hbm4b:s5+s3], $0x400, $0x38;
	[tilespmem:$0x1C800] =	vst v63  }
0xb4: {  	_ =	swait.ge [sflag:s11], $0x400  }
0xb5: {  	[sflag:s11] =	ssyncset.done $0x0  }
0xb6: {  	[sflag:s11] =	ssyncadd.s32 $0xFFFFFC00  }
0xb7: {  	[tilespmem:s14], [sflag:$0x1] =	stream.indirect.gather [hbm4b:s4+s13], $0x80, s3, s13, $0xb8;
	[tilespmem:$0x1C800] =	vst v63  }
0xb8: {  	_ = 	snop  }
0xb9: {  	[tilespmem:s15], [sflag:$0x2] =	stream.indirect.gather [hbm4b:s4+s13], $0x80, s13, s13, $0xb8;
	[tilespmem:$0x1C800] =	vst v63  }
0xba: {  	_ =	swait.ge [sflag:s16], $0x4000  }
0xbb: {  	[sflag:s16] =	ssyncset.done $0x0  }
0xbc: {  	[sflag:s16] =	ssyncadd.s32 $0xFFFFC000  }
0xbd: {  	[spmem:s1] =	stream.indirect.scatter.add.f32 [tilespmem:s14], [sflag:$0x3], $0x80, s12, s13, $0xb8;
	[tilespmem:$0x1C800] =	vst v63  }
0xbe: {  	_ =	swait.ge [sflag:s17], $0x4000  }
0xbf: {  	[sflag:s17] =	ssyncset.done $0x0  }
0xc0: {  	[sflag:s17] =	ssyncadd.s32 $0xFFFFC000  }
0xc1: {  	[tilespmem:s14], [sflag:$0x1] =	stream.indirect.gather [hbm4b:s4+s13], $0x80, s18, s13, $0xb8;
	[tilespmem:$0x1C800] =	vst v63  }
0xc2: {  	_ =	swait.ge [sflag:s19], $0x4000  }
0xc3: {  	[sflag:s19] =	ssyncset.done $0x0  }
0xc4: {  	[sflag:s19] =	ssyncadd.s32 $0xFFFFC000  }
0xc5: {  	[spmem:s1] =	stream.indirect.scatter.add.f32 [tilespmem:s15], [sflag:$0x4], $0x80, s20, s13, $0xb8;
	[tilespmem:$0x1C800] =	vst v63  }
0xc6: {  	_ =	swait.ge [sflag:s21], $0x4000  }
0xc7: {  	[sflag:s21] =	ssyncset.done $0x0  }
0xc8: {  	[sflag:s21] =	ssyncadd.s32 $0xFFFFC000  }
0xc9: {  	[tilespmem:s15], [sflag:$0x2] =	stream.indirect.gather [hbm4b:s4+s13], $0x80, s22, s13, $0xb8;
	[tilespmem:$0x1C800] =	vst v63  }
0xca: {  	_ =	swait.ge [sflag:s16], $0x4000  }
0xcb: {  	[sflag:s16] =	ssyncset.done $0x0  }
0xcc: {  	[sflag:s16] =	ssyncadd.s32 $0xFFFFC000  }
0xcd: {  	[spmem:s1] =	stream.indirect.scatter.add.f32 [tilespmem:s14], [sflag:$0x3], $0x80, s23, s13, $0xb8;
	[tilespmem:$0x1C800] =	vst v63  }
0xce: {  	_ =	swait.ge [sflag:s17], $0x4000  }
0xcf: {  	[sflag:s17] =	ssyncset.done $0x0  }
0xd0: {  	[sflag:s17] =	ssyncadd.s32 $0xFFFFC000  }
0xd1: {  	[tilespmem:s14], [sflag:$0x1] =	stream.indirect.gather [hbm4b:s4+s13], $0x80, s24, s13, $0xb8;
	[tilespmem:$0x1C800] =	vst v63  }
0xd2: {  	_ =	swait.ge [sflag:s19], $0x4000  }
0xd3: {  	[sflag:s19] =	ssyncset.done $0x0  }
0xd4: {  	[sflag:s19] =	ssyncadd.s32 $0xFFFFC000  }
0xd5: {  	[spmem:s1] =	stream.indirect.scatter.add.f32 [tilespmem:s15], [sflag:$0x4], $0x80, s25, s13, $0xb8;
	[tilespmem:$0x1C800] =	vst v63  }
0xd6: {  	_ =	swait.ge [sflag:s21], $0x4000  }
0xd7: {  	[sflag:s21] =	ssyncset.done $0x0  }
0xd8: {  	[sflag:s21] =	ssyncadd.s32 $0xFFFFC000  }
0xd9: {  	[tilespmem:s15], [sflag:$0x2] =	stream.indirect.gather [hbm4b:s4+s13], $0x80, s26, s13, $0xb8;
	[tilespmem:$0x1C800] =	vst v63  }
0xda: {  	_ =	swait.ge [sflag:s16], $0x4000  }
0xdb: {  	[sflag:s16] =	ssyncset.done $0x0  }
0xdc: {  	[sflag:s16] =	ssyncadd.s32 $0xFFFFC000  }
0xdd: {  	[spmem:s1] =	stream.indirect.scatter.add.f32 [tilespmem:s14], [sflag:$0x3], $0x80, s28, s13, $0xb8;
	[tilespmem:$0x1C800] =	vst v63  }
0xde: {  	_ =	swait.ge [sflag:s17], $0x4000  }
0xdf: {  	[sflag:s17] =	ssyncset.done $0x0  }
0xe0: {  	[sflag:s17] =	ssyncadd.s32 $0xFFFFC000  }
0xe1: {  	[tilespmem:s14], [sflag:$0x1] =	stream.indirect.gather [hbm4b:s4+s13], $0x80, s29, s13, $0xb8;
	[tilespmem:$0x1C800] =	vst v63  }
0xe2: {  	_ =	swait.ge [sflag:s19], $0x4000  }
0xe3: {  	[sflag:s19] =	ssyncset.done $0x0  }
0xe4: {  	[sflag:s19] =	ssyncadd.s32 $0xFFFFC000  }
0xe5: {  	[spmem:s1] =	stream.indirect.scatter.add.f32 [tilespmem:s15], [sflag:$0x4], $0x80, s30, s13, $0xb8;
	[tilespmem:$0x1C800] =	vst v63  }
0xe6: {  	_ =	swait.ge [sflag:s21], $0x4000  }
0xe7: {  	[sflag:s21] =	ssyncset.done $0x0  }
0xe8: {  	[sflag:s21] =	ssyncadd.s32 $0xFFFFC000  }
0xe9: {  	[tilespmem:s15], [sflag:$0x2] =	stream.indirect.gather [hbm4b:s4+s13], $0x80, s31, s13, $0xb8;
	[tilespmem:$0x1C800] =	vst v63  }
0xea: {  	_ =	swait.ge [sflag:s16], $0x4000  }
0xeb: {  	[sflag:s16] =	ssyncset.done $0x0  }
0xec: {  	[sflag:s16] =	ssyncadd.s32 $0xFFFFC000  }
0xed: {  	[spmem:s1] =	stream.indirect.scatter.add.f32 [tilespmem:s14], [sflag:$0x3], $0x80, s0, s13, $0xb8;
	[tilespmem:$0x1C800] =	vst v63  }
0xee: {  	_ =	swait.ge [sflag:s19], $0x4000  }
0xef: {  	[sflag:s19] =	ssyncset.done $0x0  }
0xf0: {  	[sflag:s19] =	ssyncadd.s32 $0xFFFFC000  }
0xf1: {  	[spmem:s1] =	stream.indirect.scatter.add.f32 [tilespmem:s15], [sflag:$0x4], $0x80, s2, s13, $0xb8;
	[tilespmem:$0x1C800] =	vst v63  }
0xf2: {  	_ =	swait.ge [sflag:s17], $0x4000  }
0xf3: {  	[sflag:s17] =	ssyncset.done $0x0  }
0xf4: {  	[sflag:s17] =	ssyncadd.s32 $0xFFFFC000  }
0xf5: {  	_ =	swait.ge [sflag:s21], $0x4000  }
0xf6: {  	[sflag:s21] =	ssyncset.done $0x0  }
0xf7: {  	[sflag:s21] =	ssyncadd.s32 $0xFFFFC000  }
0xf8: {  	[bflag:$0x0] =	sbarrier.arrive $0xFFFF  }
0xf9: {  	s6 =	rddreg [dreg:$0x5]  }
0xfa: {  	s8 =	rddreg [dreg:$0x6]  }
0xfb: {  	s7 =	rddreg [dreg:$0x8]  }
0xfc: {  	[hbm:s8], [sflag:s6] =	dma.local [spmem:s7], $0x2800  }
0xfd: {  	_ =	swait.ge [sflag:s11], $0x2800  }
0xfe: {  	s8 =	rddreg [dreg:$0x9]  }
0xff: {  	s10 =	rddreg [dreg:$0x7];
	s8 =	sadd.s32 $0x1, s8  }
0x100: {  	p0 =	sne.s32 s8, s10  }
.Ltmp1:
0x101: {  	_ = 	snop;
	(pc) =	sbr.rel @p0 .LBB2_1-.Ltmp1, $3  }
0x102: {  	_ =	sdelay $0x1  }
0x103: {  	[sflag:s11] =	ssyncset.done $0x0  }
0x104: {  	[sflag:s11] =	ssyncadd.s32 $0xFFFFD800  }
0x105: {  	_ =	sfence.sel $0x180000  }
0x106: {  	[bflag:$0x0] =	sbarrier.arrive $0xFFFF  }
0x107: {  	_ =	strace $0x9000004D  }
0x108: {  	s0 =	stileid.u32;
	[bflag:$0x2] =	sbarrier.arrive $0xFFFF  }
0x109: {  	p0 =	sne.s32 s0, $0x0;
	s0 =	rddreg [dreg:$0x2]  }
0x10a: {  	s0 =	sadd.s32 @!p0 $0x100000, s0  }
0x10b: {  	[sflag:s0] =	ssyncadd.tile.s32 @!p0 $0x1;
	_ =	shalt  }
.Lfunc_end2:
_tile_overlayer_lowered:
.L_overlay_start_2:
0x10c: {  	(tag) =	ssettag $0x2  }
0x10d: {  	s0 =	rddreg [dreg:$0x0];
	s2 =	stileid.u32  }
0x10e: {  	s1 =	rddreg [dreg:$0x1];
	p0 =	sne.s32 s2, $0x0  }
0x10f: {  	s3 =	rddreg [dreg:$0x2];
	[bflag:$0x3] =	sbarrier.arrive $0xFFFF;
	s2 =	simm.s32 @!p0 $0x1C05  }
0x110: {  	[timem:s3], [sflag:s2] =	dma.local @!p0 [hbm:s0], s1  }
0x111: {  	s0 =	simm.s32 @!p0 $0x5  }
0x112: {  	_ =	swait.ge @!p0 [sflag:s0], s1  }
0x113: {  	s1 =	ssub.s32 @!p0 $0x0, s1;
	[sflag:s0] =	ssyncset.done @!p0 $0x0  }
0x114: {  	[sflag:s0] =	ssyncadd.s32 @!p0 s1  }
0x115: {  	[bflag:$0x3] =	sbarrier.arrive $0xFFFF  }
0x116: {  	_ =	shalt  }

// kernel: kernel.8.cloned.1.call-start
scs
__scs_entry_jumppad:
0x0: {  	(pc) =	sbr.rel $0x88, $3  }
0x1: {  	(tag) =	ssettag $0x0;
	lr =	simm.s32 $0x1  }
0x2: {  	[smem:$0x3F9B] =	sst lr;
	_ =	strace $0xD0000000  }
0x3: {  	_ = 	snop  }
0x4: {  	_ = 	snop  }
0x5: {  	_ = 	snop  }
0x6: {  	_ = 	snop  }
0x7: {  	_ = 	snop  }
__scs_overlays_trampoline_lowered:
0x8: {  	[smem:$0x3FAA] =	sst s0  }
0x9: {  	[smem:$0x3FAB] =	sst s1  }
0xa: {  	[smem:$0x3FAC] =	sst s2  }
0xb: {  	[smem:$0x3FAD] =	sst s3  }
0xc: {  	[smem:$0x3FAE] =	sst s4  }
0xd: {  	[smem:$0x3FAF] =	sst s5  }
0xe: {  	[smem:$0x3FB0] =	sst s6  }
0xf: {  	[smem:$0x3FB1] =	sst s7  }
0x10: {  	[smem:$0x3FB2] =	sst s8  }
0x11: {  	[smem:$0x3FB3] =	sst s9;
	s0 =	simm.s32 @!p0 $0x0  }
0x12: {  	s1 =	sld [smem:$0x3F99];
	s0 =	simm.s32 @p0 $0x1  }
0x13: {  	[smem:$0x3FB4] =	sst s0;
	s0 =	simm.s32 @!p1 $0x0  }
0x14: {  	s2 =	sld [smem:$0x3F98];
	s0 =	simm.s32 @p1 $0x1  }
0x15: {  	[smem:$0x3FB5] =	sst s0;
	s0 =	simm.s32 @!p2 $0x0  }
0x16: {  	s3 =	sld [smem:$0x3FDB];
	s0 =	simm.s32 @p2 $0x1  }
0x17: {  	s4 =	simm.s32 $0x1BF5;
	[smem:$0x3FB7] =	sst s0  }
0x18: {  	s0 =	sld [smem:$0x3F9A];
	_ =	swait.ge [sflag:s4], $0x0  }
0x19: {  	s7 =	sld [smem:$0x3F9B]  }
0x1a: {  	s8 =	sadd.s32 $0xFFFFE003, lr  }
0x1b: {  	s9 =	sadd.s32 $0xFFFFFEF7, lr;
	s5 =	simm.s32 $0xFFFFFFFF;
	p2 =	slt.u32 s8, $0xFFFFF086  }
0x1c: {  	p1 =	slt.u32 s9, $0xF7A;
	s5 =	simm.s32 @!p2 $0x0  }
0x1d: {  	s5 =	simm.s32 @p1 $0x1;
	p0 =	seq.s32 s7, s2  }
0x1e: {  	s7 =	smul.u32 @!p0 $0xF7A, s2;
	p2 =	seq.s32 @!p0 s5, $0x0  }
0x1f: {  	s9 =	smul.u32 $0xF7A, s1;
	s8 =	simm.s32 @!p0 $0x1BF5;
	p2 =	por !p2, p0  }
0x20: {  	[sflag:s8] =	ssyncset.s32 @!p0 $0xFFFFF086;
	s6 =	sadd.s32 @!p0 s3, s7;
	s7 =	simm.s32 @!p0 $0x108  }
0x21: {  	s3 =	sadd.s32 s3, s9;
	s6 =	sadd.s32 @!p0 $0x88, s6;
	s7 =	simm.s32 @p2 $0x1082  }
0x22: {  	[simem:s7], [sflag:s8] =	dma.local @!p0 [hbm:s6], $0xF7A  }
0x23: {  	s9 =	sor.u32 $0xD0000000, s2;
	s6 =	simm.s32 $0x108;
	_ =	swait.ge @!p0 [sflag:s8], $0x0  }
0x24: {  	s3 =	sadd.s32 $0x88, s3;
	s6 =	simm.s32 @!p1 $0x1082;
	[sflag:s4] =	ssyncset.s32 $0xFFFFF086  }
0x25: {  	[simem:s6], [sflag:s4] =	dma.local [hbm:s3], $0xF7A  }
0x26: {  	[smem:$0x3F9B] =	sst s1;
	(tag) =	ssettag s2;
	_ =	strace s9  }
0x27: {  	s1 =	sld [smem:$0x3FAB]  }
0x28: {  	s2 =	sld [smem:$0x3FAC]  }
0x29: {  	s4 =	sld [smem:$0x3FAE]  }
0x2a: {  	p0 =	seq.s32 s5, $0x0;
	s5 =	sld [smem:$0x3FAF]  }
0x2b: {  	s6 =	sld [smem:$0x3FB0]  }
0x2c: {  	s7 =	sld [smem:$0x3FB1]  }
0x2d: {  	s3 =	simm.s32 $0x108;
	s8 =	sld [smem:$0x3FB2]  }
0x2e: {  	s3 =	simm.s32 @!p0 $0x1082;
	s9 =	sld [smem:$0x3FB3]  }
0x2f: {  	lr =	sadd.s32 s0, s3;
	s0 =	sld [smem:$0x3FAA]  }
0x30: {  	s3 =	sld [smem:$0x3FAD]  }
0x31: {  	[smem:$0x3FB6] =	sst s10  }
0x32: {  	s10 =	sld [smem:$0x3FB4];
	_ =	sdelay $0x3  }
0x33: {  	p0 =	seq.s32 s10, $0x1;
	s10 =	sld [smem:$0x3FB6];
	_ =	sdelay $0x3  }
0x34: {  	[smem:$0x3FB6] =	sst s10  }
0x35: {  	s10 =	sld [smem:$0x3FB5];
	_ =	sdelay $0x3  }
0x36: {  	p1 =	seq.s32 s10, $0x1;
	s10 =	sld [smem:$0x3FB6];
	_ =	sdelay $0x3  }
0x37: {  	[smem:$0x3FB6] =	sst s10  }
0x38: {  	s10 =	sld [smem:$0x3FB7]  }
0x39: {  	_ = 	snop;
	(pc) =	sbr.ind lr, $3  }
0x3a: {  	_ = 	snop  }
0x3b: {  	_ = 	snop  }
0x3c: {  	p2 =	seq.s32 s10, $0x1;
	s10 =	sld [smem:$0x3FB6]  }
0x3d: {  	_ =	shalt  }
0x3e: {  	_ =	shalt  }
0x3f: {  	_ =	shalt  }
0x40: {  	_ =	shalt  }
0x41: {  	_ =	shalt  }
0x42: {  	_ =	shalt  }
0x43: {  	_ =	shalt  }
0x44: {  	_ =	shalt  }
0x45: {  	_ =	shalt  }
0x46: {  	_ =	shalt  }
0x47: {  	_ =	shalt  }
0x48: {  	_ =	shalt  }
0x49: {  	_ =	shalt  }
0x4a: {  	_ =	shalt  }
0x4b: {  	_ =	shalt  }
0x4c: {  	_ =	shalt  }
0x4d: {  	_ =	shalt  }
0x4e: {  	_ =	shalt  }
0x4f: {  	_ =	shalt  }
0x50: {  	_ =	shalt  }
0x51: {  	_ =	shalt  }
0x52: {  	_ =	shalt  }
0x53: {  	_ =	shalt  }
0x54: {  	_ =	shalt  }
0x55: {  	_ =	shalt  }
0x56: {  	_ =	shalt  }
0x57: {  	_ =	shalt  }
0x58: {  	_ =	shalt  }
0x59: {  	_ =	shalt  }
0x5a: {  	_ =	shalt  }
0x5b: {  	_ =	shalt  }
0x5c: {  	_ =	shalt  }
0x5d: {  	_ =	shalt  }
0x5e: {  	_ =	shalt  }
0x5f: {  	_ =	shalt  }
0x60: {  	_ =	shalt  }
0x61: {  	_ =	shalt  }
0x62: {  	_ =	shalt  }
0x63: {  	_ =	shalt  }
0x64: {  	_ =	shalt  }
0x65: {  	_ =	shalt  }
0x66: {  	_ =	shalt  }
0x67: {  	_ =	shalt  }
0x68: {  	_ =	shalt  }
0x69: {  	_ =	shalt  }
0x6a: {  	_ =	shalt  }
0x6b: {  	_ =	shalt  }
0x6c: {  	_ =	shalt  }
0x6d: {  	_ =	shalt  }
0x6e: {  	_ =	shalt  }
0x6f: {  	_ =	shalt  }
0x70: {  	_ =	shalt  }
0x71: {  	_ =	shalt  }
0x72: {  	_ =	shalt  }
0x73: {  	_ =	shalt  }
0x74: {  	_ =	shalt  }
0x75: {  	_ =	shalt  }
0x76: {  	_ =	shalt  }
0x77: {  	_ =	shalt  }
0x78: {  	_ =	shalt  }
0x79: {  	_ =	shalt  }
0x7a: {  	_ =	shalt  }
0x7b: {  	_ =	shalt  }
0x7c: {  	_ =	shalt  }
0x7d: {  	_ =	shalt  }
0x7e: {  	_ =	shalt  }
0x7f: {  	_ =	shalt  }
0x80: {  	_ =	shalt  }
0x81: {  	_ =	shalt  }
0x82: {  	_ =	shalt  }
0x83: {  	_ =	shalt  }
0x84: {  	_ =	shalt  }
0x85: {  	_ =	shalt  }
0x86: {  	_ =	shalt  }
0x87: {  	_ =	shalt  }
.Lfunc_end0:
.L_simem_size_0:
called_computation_lowered:
.L_overlay_start_0:
0x88: {  	s2 =	sld [smem:$0x3FD9]  }
0x89: {  	s3 =	sld [smem:$0x3FFE];
	_ =	sdelay $0x1  }
0x8a: {  	s1 =	srdreg.scid  }
0x8b: {  	s0 =	sand.u32 $0x1, s1  }
0x8c: {  	s17 =	sshll.u32 s0, $0xA;
	s2 =	sadd.s32 s3, s2  }
0x8d: {  	s2 =	sadd.s32 s2, s17  }
0x8e: {  	[smem:$0x3FC2] =	sst s2  }
0x8f: {  	_ = 	snop  }
0x90: {  	s2 =	sld [smem:$0x3FD0];
	(tm) =	ssettm $0x1  }
0x91: {  	s18 =	sld [smem:$0x3FFB];
	_ =	sdelay $0x3  }
0x92: {  	_ =	strace s18  }
0x93: {  	s3 =	sld [smem:$0x3FFC];
	_ =	sdelay $0x3  }
0x94: {  	_ =	strace s3  }
0x95: {  	s3 =	sld [smem:$0x3FFD];
	_ =	sdelay $0x3  }
0x96: {  	_ =	strace s3  }
0x97: {  	_ =	strace $0x8FFFFFFF  }
0x98: {  	s19 =	sld [smem:$0x3FDB];
	_ =	sdelay $0x1  }
0x99: {  	s4 =	simm.s32 $_scs_section_size  }
0x9a: {  	s5 =	simm.s32 $_size__tile_overlayer_lowered;
	s6 =	simm.s32 $_tile_overlayer_lowered  }
0x9b: {  	s22 =	simm.s32 $0x1BFF;
	s21 =	sshll.u32 s6, $0x1;
	s3 =	sadd.s32 s4, s19  }
0x9c: {  	s7 =	simm.s32 $0x0;
	s20 =	sshll.u32 s5, $0x1;
	s5 =	sadd.s32 s21, s3  }
0x9d: {  	[timem:s7], [sflag:s22] =	dma.local [hbm:s5], s20  }
0x9e: {  	_ =	swait.ge [sflag:s22], s20  }
0x9f: {  	s4 =	ssub.s32 $0x0, s20;
	[sflag:s22] =	ssyncset.done $0x0  }
0xa0: {  	[sflag:s22] =	ssyncadd.s32 s4;
	_ =	sdelay $0x1  }
0xa1: {  	s23 =	simm.s32 $0x1B8B  }
0xa2: {  	_ =	swait.ge [sflag:s23], $0x1  }
0xa3: {  	[sflag:s23] =	ssyncset.done $0x0  }
0xa4: {  	s25 =	simm.s32 $0x1B8E;
	s24 =	sld [smem:$0x3FFE];
	[sflag:s23] =	ssyncadd.s32 $0xFFFFFFFF  }
0xa5: {  	s26 =	simm.s32 $execute0_lowered;
	[smem:$0x3FD2] =	sst s25  }
0xa6: {  	s5 =	sshll.u32 s26, $0x1;
	_ =	strace $0x80000046;
	[dreg:$0x1] =	wrdreg $0xFFFFFFFF  }
0xa7: {  	s28 =	simm.s32 $_size_execute0_lowered;
	s3 =	sadd.s32 s3, s5;
	[dreg:$0x0] =	wrdreg $0x0  }
0xa8: {  	s5 =	sshll.u32 s28, $0x1;
	[dreg:$0x2] =	wrdreg s3  }
0xa9: {  	[dreg:$0x3] =	wrdreg s5  }
0xaa: {  	[dreg:$0x4] =	wrdreg $0xC0  }
0xab: {  	_ =	task [dreg:s7], $0x5FFFF  }
0xac: {  	[dreg:$0x1] =	wrdreg $0xFFFFFFFF  }
0xad: {  	[dreg:$0x0] =	wrdreg $0x60  }
0xae: {  	[dreg:$0x2] =	wrdreg s2  }
0xaf: {  	[dreg:$0x3] =	wrdreg s24  }
0xb0: {  	[dreg:$0x4] =	wrdreg $0x68000  }
0xb1: {  	[dreg:$0x5] =	wrdreg $0x9  }
0xb2: {  	_ =	task.clear_ibuf [dreg:s7], $0x6FFFF;
	_ =	strace $0x90000046  }
0xb3: {  	s29 =	simm.s32 $0x9;
	_ =	strace $0x80000048  }
0xb4: {  	_ =	swait.ge [sflag:s29], $0x1  }
0xb5: {  	[sflag:s29] =	ssyncadd.s32 $0xFFFFFFFF  }
0xb6: {  	_ =	strace $0x90000048  }
0xb7: {  	_ =	sfence  }
0xb8: {  	s30 =	sld [smem:$0x0];
	_ =	sdelay $0x2  }
0xb9: {  	s31 =	sshll.u32 s1, $0xD;
	s1 =	sshrl.u32 s1, $0x2  }
0xba: {  	s3 =	sand.u32 $0x4000, s31;
	s1 =	sadd.s32 s1, s30  }
0xbb: {  	s0 =	sor.u32 s3, s0;
	s1 =	sshll.u32 s1, $0x11  }
0xbc: {  	s0 =	sor.u32 s1, s0  }
0xbd: {  	s0 =	sadd.s32 $0x8F2B, s0  }
0xbe: {  	[sflag:s0] =	ssyncadd.remote.s32 $0x1  }
0xbf: {  	_ =	sfence.sel $0xFFFF  }
0xc0: {  	[dreg:$0x0] =	wrdreg $0xFFFFFFFF;
	(pc) =	sbr.abs _section_cstart, $3  }
0xc1: {  	[dreg:$0x1] =	wrdreg $0xFFFFFFFF  }
0xc2: {  	_ =	task.clear_ibuf [dreg:s7], $0x2FFFF;
	_ =	strace $0x9FFFFFFF  }
0xc3: {  	(tm) =	ssettm $0x7FFFFFFF  }
tec
execute0_lowered:
.L_overlay_start_1:
0x0: {  	(tag) =	ssettag $0x1  }
0x1: {  	s7 =	rddreg [dreg:$0x0]  }
0x2: {  	s5 =	rddreg [dreg:$0x1]  }
0x3: {  	s2 =	rddreg [dreg:$0x2]  }
0x4: {  	s0 =	rddreg [dreg:$0x3]  }
0x5: {  	s1 =	stileid.u32;
	s4 =	srdreg.scid  }
0x6: {  	s3 =	simm.s32 $0x0;
	s13 =	simm.s32 $0x80;
	s14 =	simm.s32 $0x0  }
0x7: {  	s6 =	smul.u32 $0x2800, s1;
	s8 =	sand.u32 $0x1, s4;
	[smem:$0x7FF] =	sst s3  }
0x8: {  	s4 =	sadd.s32 $0x16600, s5;
	s11 =	smul.u32 $0x50000, s1;
	s31 =	sshll.u32 s1, $0x6  }
0x9: {  	s9 =	smul.u32 $0x28000, s8;
	_ =	strace $0x80000047;
	s26 =	ssub.s32 $0x2, s8  }
0xa: {  	s8 =	sshll.u32 s8, $0x4;
	s10 =	sadd.s32 s6, s5;
	s28 =	sshrl.u32 s26, $0x1  }
0xb: {  	s29 =	sor.u32 s1, s8;
	s30 =	sshrl.u32 s11, $0x2;
	s6 =	sadd.s32 s6, s9  }
0xc: {  	s9 =	ssub.s32 s26, s28;
	s8 =	smul.u32 $0x500, s29;
	s11 =	sadd.s32 s30, s2  }
0xd: {  	s12 =	sadd.s32 s6, s5;
	s5 =	sadd.s32 $0x16E00, s10;
	s6 =	sor.u32 $0x1C01, s31  }
0xe: {  	s9 =	smax.u32 s9, $0x1;
	s10 =	sshrl.u32 s11, $0x3;
	s11 =	simm.s32 $0x1  }
0xf: {  	s7 =	sadd.s32 s7, s8;
	s8 =	sadd.s32 $0x3EE00, s12;
	s12 =	simm.s32 $0x2800  }
.LBB2_1:
0x10: {  	[spmem:s10], [sflag:s6] =	dma.local [hbm:s5], $0x2800  }
0x11: {  	_ =	swait.ge [sflag:s11], $0x2800  }
0x12: {  	[sflag:s11] =	ssyncset.done $0x0  }
0x13: {  	[sflag:s11] =	ssyncadd.s32 $0xFFFFD800  }
0x14: {  	[tilespmem:s12], [sflag:$0x1] =	stream.linear.gather [hbm4b:s4+s3], $0x4000, $0x38;
	[tilespmem:$0x1A800] =	vst v63  }
0x15: {  	_ =	swait.ge [sflag:s11], $0x4000  }
0x16: {  	[sflag:s11] =	ssyncset.done $0x0  }
0x17: {  	[sflag:s11] =	ssyncadd.s32 $0xFFFFC000  }
0x18: {  	[tilespmem:s3], [sflag:$0x1] =	stream.linear.gather [hbm4b:s7+s3], $0x2800, $0x38;
	[tilespmem:$0x1A800] =	vst v63  }
0x19: {  	_ =	swait.ge [sflag:s11], $0x2800  }
0x1a: {  	[sflag:s11] =	ssyncset.done $0x0  }
0x1b: {  	[sflag:s11] =	ssyncadd.s32 $0xFFFFD800  }
0x1c: {  	s15 =	simm.s32 $0x0;
	[bflag:$0x0] =	sbarrier.arrive $0xFFFF  }
0x1d: {  	[spmem:s2] =	stream.indirect.scatter.add.f32 [tilespmem:s12], [sflag:$0x1], $0x80, s15, s13, $0xb8;
	[tilespmem:$0x1A800] =	vst v63  }
0x1e: {  	_ =	swait.ge [sflag:s11], $0x4000  }
0x1f: {  	s15 =	simm.s32 $0x200;
	[sflag:s11] =	ssyncset.done $0x0  }
.LBB2_2:
0x20: {  	s16 =	sshra.s32 s15, $0x2;
	[sflag:s11] =	ssyncadd.s32 $0xFFFFC000;
	p0 =	sne.s32 s15, $0x9E00  }
0x21: {  	[spmem:s2] =	stream.indirect.scatter.add.f32 [tilespmem:s12], [sflag:$0x1], $0x80, s16, s13, $0xb8;
	[tilespmem:$0x1A800] =	vst v63  }
.Ltmp0:
0x22: {  	_ = 	snop;
	(pc) =	sbr.rel @p0 .LBB2_2-.Ltmp0, $4  }
0x23: {  	_ = 	snop  }
0x24: {  	s15 =	sadd.s32 $0x200, s15  }
0x25: {  	_ =	swait.ge [sflag:s11], $0x4000  }
0x26: {  	[sflag:s11] =	ssyncset.done $0x0  }
0x27: {  	s14 =	sadd.s32 $0x1, s14  }
0x28: {  	[sflag:s11] =	ssyncadd.s32 $0xFFFFC000;
	p0 =	sne.s32 s14, s9  }
.Ltmp1:
0x29: {  	[bflag:$0x0] =	sbarrier.arrive $0xFFFF;
	(pc) =	sbr.rel @p0 .LBB2_1-.Ltmp1, $4  }
0x2a: {  	[hbm:s8], [sflag:s6] =	dma.local [spmem:s10], $0x2800  }
0x2b: {  	_ =	swait.ge [sflag:s11], $0x2800  }
0x2c: {  	[sflag:s11] =	ssyncset.done $0x0  }
0x2d: {  	[sflag:s11] =	ssyncadd.s32 $0xFFFFD800  }
0x2e: {  	_ =	sfence.sel $0x180000  }
0x2f: {  	[bflag:$0x0] =	sbarrier.arrive $0xFFFF  }
0x30: {  	p0 =	sne.s32 s1, $0x0;
	_ =	strace $0x90000047  }
0x31: {  	s0 =	sadd.s32 @!p0 $0x100000, s0;
	[bflag:$0x2] =	sbarrier.arrive $0xFFFF  }
0x32: {  	[sflag:s0] =	ssyncadd.tile.s32 @!p0 $0x1;
	_ =	shalt  }
.Lfunc_end2:
_tile_overlayer_lowered:
.L_overlay_start_2:
0x33: {  	(tag) =	ssettag $0x2  }
0x34: {  	s0 =	rddreg [dreg:$0x0];
	s2 =	stileid.u32  }
0x35: {  	s1 =	rddreg [dreg:$0x1];
	p0 =	sne.s32 s2, $0x0  }
0x36: {  	s3 =	rddreg [dreg:$0x2];
	[bflag:$0x3] =	sbarrier.arrive $0xFFFF;
	s2 =	simm.s32 @!p0 $0x1C01  }
0x37: {  	[timem:s3], [sflag:s2] =	dma.local @!p0 [hbm:s0], s1  }
0x38: {  	s0 =	simm.s32 @!p0 $0x1  }
0x39: {  	_ =	swait.ge @!p0 [sflag:s0], s1  }
0x3a: {  	s1 =	ssub.s32 @!p0 $0x0, s1;
	[sflag:s0] =	ssyncset.done @!p0 $0x0  }
0x3b: {  	[sflag:s0] =	ssyncadd.s32 @!p0 s1  }
0x3c: {  	[bflag:$0x3] =	sbarrier.arrive $0xFFFF  }
0x3d: {  	_ =	shalt  }

</sc_bundles>
